<compile_context>
chip_gen: v7x
topology: tpu7x:2x2x1
jax: 0.10.2.dev20260603
libtpu: 0.0.44.dev20260713+nightly
codegen_flags: <defaults>
</compile_context>

<pallas_src>
import functools
import jax
import jax.numpy as jnp
from jax import lax
from jax.experimental import pallas as pl
from jax.experimental.pallas import tpu as pltpu
from jax.experimental.pallas import tpu_sc as plsc

_N = 1000
_D = 1024
_R = 16
_K = 50
_BETA2 = 0.2 ** 2
_TAU = 0.01
_SCALING = 2.0
_KSC = 64
_ROW = _R * _D


def _routing_body(q_ref, cor_ref, idx_ref, sc_ref):
    q = q_ref[...]
    qn = jnp.sqrt(jnp.sum(q * q))
    ii = lax.broadcasted_iota(jnp.int32, (_N, _N), 0)
    jj = lax.broadcasted_iota(jnp.int32, (_N, _N), 1)
    eye_n = jnp.where(ii == jj, 1.0, 0.0)
    scores = lax.dot_general(q, cor_ref[...], (((1,), (1,)), ((), ())),
                             preferred_element_type=jnp.float32)
    csq = jnp.zeros((1, _N), jnp.float32)
    ones = jnp.ones((1, 128), jnp.float32)
    for t in range(_D // 128):
        ch = cor_ref[:, 128 * t:128 * (t + 1)]
        csq = csq + lax.dot_general(ones, ch * ch, (((1,), (1,)), ((), ())),
                                    preferred_element_type=jnp.float32)
    sim = scores / ((jnp.sqrt(csq) + 1e-9) * (qn + 1e-9)) / _BETA2
    mx = jnp.max(sim)
    e = jnp.exp(sim - mx)
    p = e / jnp.sum(e)
    p = jnp.where(p >= _TAU, p, 0.0)
    p_col = lax.dot_general(eye_n, p, (((1,), (1,)), ((), ())),
                            preferred_element_type=jnp.float32)
    cmp = jnp.where(p_col < p, 1.0, 0.0)
    rank = lax.dot_general(cmp, jnp.ones((_N, 1), jnp.float32),
                           (((1,), (0,)), ((), ())),
                           preferred_element_type=jnp.float32)
    lane64 = lax.broadcasted_iota(jnp.int32, (1, _KSC), 1).astype(jnp.float32)
    onehot = jnp.where(rank == lane64, 1.0, 0.0)
    lane_f = lax.broadcasted_iota(jnp.int32, (1, _N), 1).astype(jnp.float32)
    idx_f = lax.dot_general(lane_f, onehot, (((1,), (0,)), ((), ())),
                            preferred_element_type=jnp.float32)
    wvec = lax.dot_general(p, onehot, (((1,), (0,)), ((), ())),
                           preferred_element_type=jnp.float32)
    sel = lane64 < float(_K)
    ssum = jnp.sum(jnp.where(sel, wvec, 0.0))
    wscale = _SCALING / (ssum + 1e-9)
    sc_ref[...] = jnp.where(sel, wvec * wscale, 0.0)
    pr = lax.broadcasted_iota(jnp.int32, (_KSC, 256), 0)
    pc = lax.broadcasted_iota(jnp.int32, (_KSC, 256), 1)
    perm = jnp.where(pc == 8 * (pr // 2) + pr % 2, 1.0, 0.0)
    idx256 = lax.dot_general(idx_f, perm, (((1,), (0,)), ((), ())),
                             preferred_element_type=jnp.float32)
    idx_ref[...] = jnp.clip(idx256, 0.0, float(_N - 1)).astype(jnp.int32)


def _routing(q, corpus):
    return pl.pallas_call(
        _routing_body,
        out_shape=(jax.ShapeDtypeStruct((1, 256), jnp.int32),
                   jax.ShapeDtypeStruct((1, _KSC), jnp.float32)),
        in_specs=[pl.BlockSpec(memory_space=pltpu.VMEM),
                  pl.BlockSpec(memory_space=pltpu.VMEM)],
        out_specs=(pl.BlockSpec(memory_space=pltpu.VMEM),
                   pl.BlockSpec(memory_space=pltpu.VMEM)),
    )(q, corpus)


def _sc_gather(A2, Bt2, idx64):
    mesh = plsc.VectorSubcoreMesh(core_axis_name="c", subcore_axis_name="s")

    @functools.partial(
        pl.kernel, mesh=mesh,
        out_type=(jax.ShapeDtypeStruct((_KSC, _ROW), jnp.float32),
                  jax.ShapeDtypeStruct((_KSC, _ROW), jnp.float32)),
        scratch_types=[
            pltpu.VMEM((8,), jnp.int32),
            pltpu.VMEM((2, _ROW), jnp.float32),
            pltpu.SemaphoreType.DMA,
        ],
    )
    def k(a_hbm, b_hbm, idx_hbm, aout, bout, idx_v, rows_v, sem):
        cid = lax.axis_index("c")
        sid = lax.axis_index("s")
        wid = sid * 2 + cid
        pltpu.sync_copy(idx_hbm.at[wid], idx_v)
        my = idx_v.at[pl.ds(0, 2)]
        pltpu.async_copy(a_hbm.at[my], rows_v, sem).wait()
        pltpu.sync_copy(rows_v, aout.at[pl.ds(wid * 2, 2)])
        pltpu.async_copy(b_hbm.at[my], rows_v, sem).wait()
        pltpu.sync_copy(rows_v, bout.at[pl.ds(wid * 2, 2)])

    return k(A2, Bt2, idx64)


def _merge_body(aa_ref, bb_ref, wb_ref, sc_ref, out_ref):
    rowg = lax.broadcasted_iota(jnp.int32, (_KSC * _R, _KSC), 0) // _R
    kcol = lax.broadcasted_iota(jnp.int32, (_KSC * _R, _KSC), 1)
    eye_g = jnp.where(rowg == kcol, 1.0, 0.0)
    scale_col = lax.dot_general(eye_g, sc_ref[...], (((1,), (1,)), ((), ())),
                                preferred_element_type=jnp.float32)
    delta = lax.dot_general(
        (bb_ref[...] * scale_col).astype(jnp.bfloat16),
        aa_ref[...].astype(jnp.bfloat16),
        (((0,), (0,)), ((), ())), preferred_element_type=jnp.float32)
    out_ref[...] = wb_ref[...] + delta


def _merge(aa, bb, W_base, sc64):
    return pl.pallas_call(
        _merge_body,
        out_shape=jax.ShapeDtypeStruct((_D, _D), jnp.float32),
        in_specs=[pl.BlockSpec(memory_space=pltpu.VMEM),
                  pl.BlockSpec(memory_space=pltpu.VMEM),
                  pl.BlockSpec(memory_space=pltpu.VMEM),
                  pl.BlockSpec(memory_space=pltpu.VMEM)],
        out_specs=pl.BlockSpec(memory_space=pltpu.VMEM),
    )(aa, bb, W_base, sc64)


def kernel(q, corpus, A_all, B_all, W_base):
    B_t = jnp.swapaxes(B_all, 1, 2)
    idx64, sc64 = _routing(q, corpus)
    A2 = A_all.reshape(_N, _ROW)
    Bt2 = B_t.reshape(_N, _ROW)
    aout, bout = _sc_gather(A2, Bt2, idx64.reshape(32, 8))
    aa = aout.reshape(_KSC * _R, _D)
    bb = bout.reshape(_KSC * _R, _D)
    return _merge(aa, bb, W_base, sc64)

# --- scband reference (transcript-rebuilt; emitter-appended) ---
"""Pipeline reference for scband-test-time-merging-model-6519760355474 (READ-ONLY COPY).

The authoritative reference and input builder live on the scoring server;
editing this copy changes nothing except your own understanding.
"""

import jax, jax.numpy as jnp
import numpy as np

N_CLUSTERS = 1000
D_EMB = 1024
D_MODEL = 1024
R = 16
TOPK = 50          # max_merge_count
BETA = 0.2         # sqrt of beta used in sparse cross attention
TAU = 0.01         # sparsity threshold
SCALING = 2.0      # lora_alpha / r


def setup_inputs(seed: int = 0) -> dict:
    key = jax.random.key(seed)
    k1, k2, k3, k4, k5 = jax.random.split(key, 5)
    q = jax.random.normal(k1, (1, D_EMB), dtype=jnp.float32)
    corpus = jax.random.normal(k2, (N_CLUSTERS, D_EMB), dtype=jnp.float32)
    A_all = jax.random.normal(k3, (N_CLUSTERS, R, D_MODEL), dtype=jnp.float32) * 0.02
    B_all = jax.random.normal(k4, (N_CLUSTERS, D_MODEL, R), dtype=jnp.float32) * 0.02
    W_base = jax.random.normal(k5, (D_MODEL, D_MODEL), dtype=jnp.float32) * 0.02
    return {"q": q, "corpus": corpus, "A_all": A_all, "B_all": B_all, "W_base": W_base}


def reference(q, corpus, A_all, B_all, W_base):
    # --- routing: sparse cross attention between query embedding and cluster corpus ---
    qn = q / (jnp.linalg.norm(q, axis=-1, keepdims=True) + 1e-9)
    cn = corpus / (jnp.linalg.norm(corpus, axis=-1, keepdims=True) + 1e-9)
    sim = (qn @ cn.T)[0] / (BETA ** 2)              # [n_clusters]
    probs = jax.nn.softmax(sim)
    probs = jnp.where(probs >= TAU, probs, 0.0)      # tau-sparsification
    vals, idx = jax.lax.top_k(probs, TOPK)           # select up to max_merge_count clusters
    weights = vals / (jnp.sum(vals) + 1e-9)          # renormalize merge weights
    # --- adapter gather (memory-bound): fetch selected LoRA adapters ---
    As = jnp.take(A_all, idx, axis=0)                # [k, r, in]
    Bs = jnp.take(B_all, idx, axis=0)                # [k, out, r]
    # weight * scaling applied to lora_A, as in _efficient_merge_adapters
    As = As * (weights * SCALING)[:, None, None]
    # delta = einsum('k i r, k r o -> i o', Bs, As)
    delta = jnp.einsum('kir,kro->io', Bs, As)        # [out, in]
    W_merged = W_base + delta                        # base_param.data.add_(delta)
    return W_merged

if __name__ == "__main__":
    import jax
    _d = setup_inputs()
    print(jax.jit(kernel)(*tuple(_d.values())))

</pallas_src>

<mosaic_0001>
#map = affine_map<(d0, d1) -> (0, 0)>
module attributes {stable_mosaic.version = 14 : i64} {
  func.func @k(%arg0: i32, %arg1: i32, %arg2: memref<1000x16384xf32, #tpu.memory_space<hbm>>, %arg3: memref<1000x16384xf32, #tpu.memory_space<hbm>>, %arg4: memref<32x8xi32, #tpu.memory_space<hbm>>, %arg5: memref<64x16384xf32, #tpu.memory_space<hbm>>, %arg6: memref<64x16384xf32, #tpu.memory_space<hbm>>, %arg7: memref<8xi32, #tpu.memory_space<vmem>>, %arg8: memref<2x16384xf32, #tpu.memory_space<vmem>>, %arg9: memref<!tpu.dma_semaphore, #tpu.memory_space<semaphore_mem>>) attributes {dimension_semantics = [#tpu.dimension_semantics<core_parallel>, #tpu.dimension_semantics<subcore_parallel>], iteration_bounds = array<i64: 2, 16>, scalar_prefetch = 0 : i64, scratch_operands = 3 : i64, tpu.core_type = #tpu.core_type<sc_vector_subcore>, window_params = [{transform_indices = #map}, {transform_indices = #map}, {transform_indices = #map}, {transform_indices = #map}, {transform_indices = #map}]} {
    %mul3A = arith.constant 2 : i32
    %mul3A_0 = arith.muli %arg1, %mul3A : i32
    %add3A = arith.addi %mul3A_0, %arg0 : i32
    "tpu.region"() ({
      %run_scoped3A = tpu.sem_alloc : memref<!tpu.dma_semaphore, #tpu.memory_space<semaphore_mem>>
      %dma_start3A_23 = arith.constant 0 : i32
      %dma_start3A_24 = tpu.memref_slice %arg4[%add3A, %dma_start3A_23] : memref<32x8xi32, #tpu.memory_space<hbm>> -> memref<1x8xi32, #tpu.memory_space<hbm>>
      %dma_start3A_25 = tpu.memref_squeeze %dma_start3A_24 : memref<1x8xi32, #tpu.memory_space<hbm>> -> memref<8xi32, #tpu.memory_space<hbm>>
      %dma_start3A_26 = arith.constant 0 : i32
      %dma_start3A_27 = tpu.memref_slice %arg4[%add3A, %dma_start3A_26] : memref<32x8xi32, #tpu.memory_space<hbm>> -> memref<1x8xi32, #tpu.memory_space<hbm>>
      %dma_start3A_28 = tpu.memref_squeeze %dma_start3A_27 : memref<1x8xi32, #tpu.memory_space<hbm>> -> memref<8xi32, #tpu.memory_space<hbm>>
      tpu.enqueue_dma source(%dma_start3A_28 : memref<8xi32, #tpu.memory_space<hbm>>) target(%arg7 : memref<8xi32, #tpu.memory_space<vmem>>) target_semaphore(%run_scoped3A : memref<!tpu.dma_semaphore, #tpu.memory_space<semaphore_mem>>)
      %dma_wait3A_29 = arith.constant 0 : i32
      %dma_wait3A_30 = tpu.memref_slice %arg4[%add3A, %dma_wait3A_29] : memref<32x8xi32, #tpu.memory_space<hbm>> -> memref<1x8xi32, #tpu.memory_space<hbm>>
      %dma_wait3A_31 = tpu.memref_squeeze %dma_wait3A_30 : memref<1x8xi32, #tpu.memory_space<hbm>> -> memref<8xi32, #tpu.memory_space<hbm>>
      %dma_wait3A_32 = arith.constant 0 : i32
      %dma_wait3A_33 = tpu.memref_slice %arg4[%add3A, %dma_wait3A_32] : memref<32x8xi32, #tpu.memory_space<hbm>> -> memref<1x8xi32, #tpu.memory_space<hbm>>
      %dma_wait3A_34 = tpu.memref_squeeze %dma_wait3A_33 : memref<1x8xi32, #tpu.memory_space<hbm>> -> memref<8xi32, #tpu.memory_space<hbm>>
      tpu.wait_dma2 semaphore(%run_scoped3A : memref<!tpu.dma_semaphore, #tpu.memory_space<semaphore_mem>>) src(%dma_wait3A_34 : memref<8xi32, #tpu.memory_space<hbm>>) dst(%arg7 : memref<8xi32, #tpu.memory_space<vmem>>)
      tpu.yield
    }) : () -> ()
    %dma_start3A = arith.constant 0 : i32
    %dma_start3A_1 = tpu.memref_slice %arg7[%dma_start3A] : memref<8xi32, #tpu.memory_space<vmem>> -> memref<2xi32, #tpu.memory_space<vmem>>
    %dma_start3A_2 = arith.constant 0 : i32
    %dma_start3A_3 = arith.constant 0 : i32
    %dma_start3A_4 = tpu.memref_slice %arg2[%dma_start3A_2, %dma_start3A_3] : memref<1000x16384xf32, #tpu.memory_space<hbm>> -> memref<1000x16384xf32, #tpu.memory_space<hbm>>
    tpu.enqueue_indirect_dma source(%dma_start3A_4 : memref<1000x16384xf32, #tpu.memory_space<hbm>>) target(%arg8 : memref<2x16384xf32, #tpu.memory_space<vmem>>) offsets(%dma_start3A_1 : memref<2xi32, #tpu.memory_space<vmem>>) semaphore(%arg9 : memref<!tpu.dma_semaphore, #tpu.memory_space<semaphore_mem>>)
    %dma_wait3A = arith.constant 0 : i32
    %dma_wait3A_5 = tpu.memref_slice %arg7[%dma_wait3A] : memref<8xi32, #tpu.memory_space<vmem>> -> memref<2xi32, #tpu.memory_space<vmem>>
    %dma_wait3A_6 = arith.constant 0 : i32
    %dma_wait3A_7 = arith.constant 0 : i32
    %dma_wait3A_8 = tpu.memref_slice %arg2[%dma_wait3A_6, %dma_wait3A_7] : memref<1000x16384xf32, #tpu.memory_space<hbm>> -> memref<1000x16384xf32, #tpu.memory_space<hbm>>
    tpu.wait_indirect_dma semaphore(%arg9 : memref<!tpu.dma_semaphore, #tpu.memory_space<semaphore_mem>>) src(%dma_wait3A_8 : memref<1000x16384xf32, #tpu.memory_space<hbm>>) dst(%arg8 : memref<2x16384xf32, #tpu.memory_space<vmem>>)
    %mul3A_9 = arith.constant 2 : i32
    %mul3A_10 = arith.muli %add3A, %mul3A_9 : i32
    "tpu.region"() ({
      %run_scoped3A = tpu.sem_alloc : memref<!tpu.dma_semaphore, #tpu.memory_space<semaphore_mem>>
      %dma_start3A_23 = arith.constant 0 : i32
      %dma_start3A_24 = tpu.memref_slice %arg5[%mul3A_10, %dma_start3A_23] : memref<64x16384xf32, #tpu.memory_space<hbm>> -> memref<2x16384xf32, #tpu.memory_space<hbm>>
      %dma_start3A_25 = arith.constant 0 : i32
      %dma_start3A_26 = tpu.memref_slice %arg5[%mul3A_10, %dma_start3A_25] : memref<64x16384xf32, #tpu.memory_space<hbm>> -> memref<2x16384xf32, #tpu.memory_space<hbm>>
      tpu.enqueue_dma source(%arg8 : memref<2x16384xf32, #tpu.memory_space<vmem>>) target(%dma_start3A_26 : memref<2x16384xf32, #tpu.memory_space<hbm>>) target_semaphore(%run_scoped3A : memref<!tpu.dma_semaphore, #tpu.memory_space<semaphore_mem>>)
      %dma_wait3A_27 = arith.constant 0 : i32
      %dma_wait3A_28 = tpu.memref_slice %arg5[%mul3A_10, %dma_wait3A_27] : memref<64x16384xf32, #tpu.memory_space<hbm>> -> memref<2x16384xf32, #tpu.memory_space<hbm>>
      %dma_wait3A_29 = arith.constant 0 : i32
      %dma_wait3A_30 = tpu.memref_slice %arg5[%mul3A_10, %dma_wait3A_29] : memref<64x16384xf32, #tpu.memory_space<hbm>> -> memref<2x16384xf32, #tpu.memory_space<hbm>>
      tpu.wait_dma2 semaphore(%run_scoped3A : memref<!tpu.dma_semaphore, #tpu.memory_space<semaphore_mem>>) src(%arg8 : memref<2x16384xf32, #tpu.memory_space<vmem>>) dst(%dma_wait3A_30 : memref<2x16384xf32, #tpu.memory_space<hbm>>)
      tpu.yield
    }) : () -> ()
    %dma_start3A_11 = arith.constant 0 : i32
    %dma_start3A_12 = tpu.memref_slice %arg7[%dma_start3A_11] : memref<8xi32, #tpu.memory_space<vmem>> -> memref<2xi32, #tpu.memory_space<vmem>>
    %dma_start3A_13 = arith.constant 0 : i32
    %dma_start3A_14 = arith.constant 0 : i32
    %dma_start3A_15 = tpu.memref_slice %arg3[%dma_start3A_13, %dma_start3A_14] : memref<1000x16384xf32, #tpu.memory_space<hbm>> -> memref<1000x16384xf32, #tpu.memory_space<hbm>>
    tpu.enqueue_indirect_dma source(%dma_start3A_15 : memref<1000x16384xf32, #tpu.memory_space<hbm>>) target(%arg8 : memref<2x16384xf32, #tpu.memory_space<vmem>>) offsets(%dma_start3A_12 : memref<2xi32, #tpu.memory_space<vmem>>) semaphore(%arg9 : memref<!tpu.dma_semaphore, #tpu.memory_space<semaphore_mem>>)
    %dma_wait3A_16 = arith.constant 0 : i32
    %dma_wait3A_17 = tpu.memref_slice %arg7[%dma_wait3A_16] : memref<8xi32, #tpu.memory_space<vmem>> -> memref<2xi32, #tpu.memory_space<vmem>>
    %dma_wait3A_18 = arith.constant 0 : i32
    %dma_wait3A_19 = arith.constant 0 : i32
    %dma_wait3A_20 = tpu.memref_slice %arg3[%dma_wait3A_18, %dma_wait3A_19] : memref<1000x16384xf32, #tpu.memory_space<hbm>> -> memref<1000x16384xf32, #tpu.memory_space<hbm>>
    tpu.wait_indirect_dma semaphore(%arg9 : memref<!tpu.dma_semaphore, #tpu.memory_space<semaphore_mem>>) src(%dma_wait3A_20 : memref<1000x16384xf32, #tpu.memory_space<hbm>>) dst(%arg8 : memref<2x16384xf32, #tpu.memory_space<vmem>>)
    %mul3A_21 = arith.constant 2 : i32
    %mul3A_22 = arith.muli %add3A, %mul3A_21 : i32
    "tpu.region"() ({
      %run_scoped3A = tpu.sem_alloc : memref<!tpu.dma_semaphore, #tpu.memory_space<semaphore_mem>>
      %dma_start3A_23 = arith.constant 0 : i32
      %dma_start3A_24 = tpu.memref_slice %arg6[%mul3A_22, %dma_start3A_23] : memref<64x16384xf32, #tpu.memory_space<hbm>> -> memref<2x16384xf32, #tpu.memory_space<hbm>>
      %dma_start3A_25 = arith.constant 0 : i32
      %dma_start3A_26 = tpu.memref_slice %arg6[%mul3A_22, %dma_start3A_25] : memref<64x16384xf32, #tpu.memory_space<hbm>> -> memref<2x16384xf32, #tpu.memory_space<hbm>>
      tpu.enqueue_dma source(%arg8 : memref<2x16384xf32, #tpu.memory_space<vmem>>) target(%dma_start3A_26 : memref<2x16384xf32, #tpu.memory_space<hbm>>) target_semaphore(%run_scoped3A : memref<!tpu.dma_semaphore, #tpu.memory_space<semaphore_mem>>)
      %dma_wait3A_27 = arith.constant 0 : i32
      %dma_wait3A_28 = tpu.memref_slice %arg6[%mul3A_22, %dma_wait3A_27] : memref<64x16384xf32, #tpu.memory_space<hbm>> -> memref<2x16384xf32, #tpu.memory_space<hbm>>
      %dma_wait3A_29 = arith.constant 0 : i32
      %dma_wait3A_30 = tpu.memref_slice %arg6[%mul3A_22, %dma_wait3A_29] : memref<64x16384xf32, #tpu.memory_space<hbm>> -> memref<2x16384xf32, #tpu.memory_space<hbm>>
      tpu.wait_dma2 semaphore(%run_scoped3A : memref<!tpu.dma_semaphore, #tpu.memory_space<semaphore_mem>>) src(%arg8 : memref<2x16384xf32, #tpu.memory_space<vmem>>) dst(%dma_wait3A_30 : memref<2x16384xf32, #tpu.memory_space<hbm>>)
      tpu.yield
    }) : () -> ()
    return
  }
}

module attributes {stable_mosaic.version = 14 : i64} {
  func.func @_routing_body(%arg0: memref<1x1024xf32, #tpu.memory_space<vmem>>, %arg1: memref<1000x1024xf32, #tpu.memory_space<vmem>>, %arg2: memref<1x256xi32, #tpu.memory_space<vmem>>, %arg3: memref<1x64xf32, #tpu.memory_space<vmem>>) attributes {dimension_semantics = [], scalar_prefetch = 0 : i64, scratch_operands = 0 : i64, tpu.core_type = #tpu.core_type<tc>} {
    %get3A = arith.constant 0 : index
    %get3A_0 = arith.constant 0 : index
    %get3A_1 = vector.load %arg0[%get3A, %get3A_0] : memref<1x1024xf32, #tpu.memory_space<vmem>>, vector<1x1024xf32>
    %mul3A = arith.mulf %get3A_1, %get3A_1 : vector<1x1024xf32>
    %reduce_sum3A = vector.shape_cast %mul3A : vector<1x1024xf32> to vector<1x1x1024xf32>
    %reduce_sum3A_2 = arith.constant dense<0.000000e+00> : vector<1xf32>
    %reduce_sum3A_3 = vector.multi_reduction <add>, %reduce_sum3A, %reduce_sum3A_2 [1, 2] : vector<1x1x1024xf32> to vector<1xf32>
    %reduce_sum3A_4 = vector.shape_cast %reduce_sum3A_3 : vector<1xf32> to vector<1x1x1xf32>
    %reduce_sum3A_5 = vector.extract %reduce_sum3A_4[0, 0, 0] : f32 from vector<1x1x1xf32>
    %sqrt3A = math.sqrt %reduce_sum3A_5 : f32
    %iota3A = tpu.iota {dimensions = array<i32: 0>} : vector<1000x1000xi32>
    %iota3A_6 = tpu.iota {dimensions = array<i32: 1>} : vector<1000x1000xi32>
    %eq3A = arith.cmpi eq, %iota3A, %iota3A_6 : vector<1000x1000xi32>
    %jit3A = arith.constant 1.000000e+00 : f32
    %jit3A_7 = arith.constant 0.000000e+00 : f32
    %broadcast_in_dim3A = vector.broadcast %jit3A : f32 to vector<1000x1000xf32>
    %broadcast_in_dim3A_8 = vector.broadcast %jit3A_7 : f32 to vector<1000x1000xf32>
    %select_n3A = arith.select %eq3A, %broadcast_in_dim3A, %broadcast_in_dim3A_8 : vector<1000x1000xi1>, vector<1000x1000xf32>
    %get3A_9 = arith.constant 0 : index
    %get3A_10 = arith.constant 0 : index
    %get3A_11 = vector.load %arg1[%get3A_9, %get3A_10] : memref<1000x1024xf32, #tpu.memory_space<vmem>>, vector<1000x1024xf32>
    %dot_general3A = arith.constant dense<0.000000e+00> : vector<1x1000xf32>
    %dot_general3A_12 = tpu.matmul %get3A_1, %get3A_11, %dot_general3A {dimension_numbers = #tpu.dot_dimension_numbers<[1], [1], [0], [0], [0, 0, 1, 0], [], []>, transpose_lhs_hint = false} : vector<1x1024xf32>, vector<1000x1024xf32>, vector<1x1000xf32> -> vector<1x1000xf32>
    %broadcast_in_dim3A_13 = arith.constant 0.000000e+00 : f32
    %broadcast_in_dim3A_14 = vector.broadcast %broadcast_in_dim3A_13 : f32 to vector<1x1000xf32>
    %broadcast_in_dim3A_15 = arith.constant 1.000000e+00 : f32
    %broadcast_in_dim3A_16 = vector.broadcast %broadcast_in_dim3A_15 : f32 to vector<1x128xf32>
    %get3A_17 = arith.constant 0 : index
    %get3A_18 = arith.constant 0 : index
    %get3A_19 = vector.load %arg1[%get3A_17, %get3A_18] : memref<1000x1024xf32, #tpu.memory_space<vmem>>, vector<1000x128xf32>
    %mul3A_20 = arith.mulf %get3A_19, %get3A_19 : vector<1000x128xf32>
    %dot_general3A_21 = arith.constant dense<0.000000e+00> : vector<1x1000xf32>
    %dot_general3A_22 = tpu.matmul %broadcast_in_dim3A_16, %mul3A_20, %dot_general3A_21 {dimension_numbers = #tpu.dot_dimension_numbers<[1], [1], [0], [0], [0, 0, 1, 0], [], []>, transpose_lhs_hint = false} : vector<1x128xf32>, vector<1000x128xf32>, vector<1x1000xf32> -> vector<1x1000xf32>
    %add3A = arith.addf %broadcast_in_dim3A_14, %dot_general3A_22 : vector<1x1000xf32>
    %get3A_23 = arith.constant 0 : index
    %get3A_24 = arith.constant 128 : index
    %get3A_25 = vector.load %arg1[%get3A_23, %get3A_24] : memref<1000x1024xf32, #tpu.memory_space<vmem>>, vector<1000x128xf32>
    %mul3A_26 = arith.mulf %get3A_25, %get3A_25 : vector<1000x128xf32>
    %dot_general3A_27 = arith.constant dense<0.000000e+00> : vector<1x1000xf32>
    %dot_general3A_28 = tpu.matmul %broadcast_in_dim3A_16, %mul3A_26, %dot_general3A_27 {dimension_numbers = #tpu.dot_dimension_numbers<[1], [1], [0], [0], [0, 0, 1, 0], [], []>, transpose_lhs_hint = false} : vector<1x128xf32>, vector<1000x128xf32>, vector<1x1000xf32> -> vector<1x1000xf32>
    %add3A_29 = arith.addf %add3A, %dot_general3A_28 : vector<1x1000xf32>
    %get3A_30 = arith.constant 0 : index
    %get3A_31 = arith.constant 256 : index
    %get3A_32 = vector.load %arg1[%get3A_30, %get3A_31] : memref<1000x1024xf32, #tpu.memory_space<vmem>>, vector<1000x128xf32>
    %mul3A_33 = arith.mulf %get3A_32, %get3A_32 : vector<1000x128xf32>
    %dot_general3A_34 = arith.constant dense<0.000000e+00> : vector<1x1000xf32>
    %dot_general3A_35 = tpu.matmul %broadcast_in_dim3A_16, %mul3A_33, %dot_general3A_34 {dimension_numbers = #tpu.dot_dimension_numbers<[1], [1], [0], [0], [0, 0, 1, 0], [], []>, transpose_lhs_hint = false} : vector<1x128xf32>, vector<1000x128xf32>, vector<1x1000xf32> -> vector<1x1000xf32>
    %add3A_36 = arith.addf %add3A_29, %dot_general3A_35 : vector<1x1000xf32>
    %get3A_37 = arith.constant 0 : index
    %get3A_38 = arith.constant 384 : index
    %get3A_39 = vector.load %arg1[%get3A_37, %get3A_38] : memref<1000x1024xf32, #tpu.memory_space<vmem>>, vector<1000x128xf32>
    %mul3A_40 = arith.mulf %get3A_39, %get3A_39 : vector<1000x128xf32>
    %dot_general3A_41 = arith.constant dense<0.000000e+00> : vector<1x1000xf32>
    %dot_general3A_42 = tpu.matmul %broadcast_in_dim3A_16, %mul3A_40, %dot_general3A_41 {dimension_numbers = #tpu.dot_dimension_numbers<[1], [1], [0], [0], [0, 0, 1, 0], [], []>, transpose_lhs_hint = false} : vector<1x128xf32>, vector<1000x128xf32>, vector<1x1000xf32> -> vector<1x1000xf32>
    %add3A_43 = arith.addf %add3A_36, %dot_general3A_42 : vector<1x1000xf32>
    %get3A_44 = arith.constant 0 : index
    %get3A_45 = arith.constant 512 : index
    %get3A_46 = vector.load %arg1[%get3A_44, %get3A_45] : memref<1000x1024xf32, #tpu.memory_space<vmem>>, vector<1000x128xf32>
    %mul3A_47 = arith.mulf %get3A_46, %get3A_46 : vector<1000x128xf32>
    %dot_general3A_48 = arith.constant dense<0.000000e+00> : vector<1x1000xf32>
    %dot_general3A_49 = tpu.matmul %broadcast_in_dim3A_16, %mul3A_47, %dot_general3A_48 {dimension_numbers = #tpu.dot_dimension_numbers<[1], [1], [0], [0], [0, 0, 1, 0], [], []>, transpose_lhs_hint = false} : vector<1x128xf32>, vector<1000x128xf32>, vector<1x1000xf32> -> vector<1x1000xf32>
    %add3A_50 = arith.addf %add3A_43, %dot_general3A_49 : vector<1x1000xf32>
    %get3A_51 = arith.constant 0 : index
    %get3A_52 = arith.constant 640 : index
    %get3A_53 = vector.load %arg1[%get3A_51, %get3A_52] : memref<1000x1024xf32, #tpu.memory_space<vmem>>, vector<1000x128xf32>
    %mul3A_54 = arith.mulf %get3A_53, %get3A_53 : vector<1000x128xf32>
    %dot_general3A_55 = arith.constant dense<0.000000e+00> : vector<1x1000xf32>
    %dot_general3A_56 = tpu.matmul %broadcast_in_dim3A_16, %mul3A_54, %dot_general3A_55 {dimension_numbers = #tpu.dot_dimension_numbers<[1], [1], [0], [0], [0, 0, 1, 0], [], []>, transpose_lhs_hint = false} : vector<1x128xf32>, vector<1000x128xf32>, vector<1x1000xf32> -> vector<1x1000xf32>
    %add3A_57 = arith.addf %add3A_50, %dot_general3A_56 : vector<1x1000xf32>
    %get3A_58 = arith.constant 0 : index
    %get3A_59 = arith.constant 768 : index
    %get3A_60 = vector.load %arg1[%get3A_58, %get3A_59] : memref<1000x1024xf32, #tpu.memory_space<vmem>>, vector<1000x128xf32>
    %mul3A_61 = arith.mulf %get3A_60, %get3A_60 : vector<1000x128xf32>
    %dot_general3A_62 = arith.constant dense<0.000000e+00> : vector<1x1000xf32>
    %dot_general3A_63 = tpu.matmul %broadcast_in_dim3A_16, %mul3A_61, %dot_general3A_62 {dimension_numbers = #tpu.dot_dimension_numbers<[1], [1], [0], [0], [0, 0, 1, 0], [], []>, transpose_lhs_hint = false} : vector<1x128xf32>, vector<1000x128xf32>, vector<1x1000xf32> -> vector<1x1000xf32>
    %add3A_64 = arith.addf %add3A_57, %dot_general3A_63 : vector<1x1000xf32>
    %get3A_65 = arith.constant 0 : index
    %get3A_66 = arith.constant 896 : index
    %get3A_67 = vector.load %arg1[%get3A_65, %get3A_66] : memref<1000x1024xf32, #tpu.memory_space<vmem>>, vector<1000x128xf32>
    %mul3A_68 = arith.mulf %get3A_67, %get3A_67 : vector<1000x128xf32>
    %dot_general3A_69 = arith.constant dense<0.000000e+00> : vector<1x1000xf32>
    %dot_general3A_70 = tpu.matmul %broadcast_in_dim3A_16, %mul3A_68, %dot_general3A_69 {dimension_numbers = #tpu.dot_dimension_numbers<[1], [1], [0], [0], [0, 0, 1, 0], [], []>, transpose_lhs_hint = false} : vector<1x128xf32>, vector<1000x128xf32>, vector<1x1000xf32> -> vector<1x1000xf32>
    %add3A_71 = arith.addf %add3A_64, %dot_general3A_70 : vector<1x1000xf32>
    %sqrt3A_72 = math.sqrt %add3A_71 : vector<1x1000xf32>
    %add3A_73 = arith.constant 9.99999971E-10 : f32
    %add3A_74 = vector.broadcast %add3A_73 : f32 to vector<1x1000xf32>
    %add3A_75 = arith.addf %sqrt3A_72, %add3A_74 : vector<1x1000xf32>
    %add3A_76 = arith.constant 9.99999971E-10 : f32
    %add3A_77 = arith.addf %sqrt3A, %add3A_76 : f32
    %mul3A_78 = vector.broadcast %add3A_77 : f32 to vector<1x1000xf32>
    %mul3A_79 = arith.mulf %add3A_75, %mul3A_78 : vector<1x1000xf32>
    %div3A = arith.divf %dot_general3A_12, %mul3A_79 : vector<1x1000xf32>
    %div3A_80 = arith.constant 4.000000e-02 : f32
    %div3A_81 = vector.broadcast %div3A_80 : f32 to vector<1x1000xf32>
    %div3A_82 = arith.divf %div3A, %div3A_81 : vector<1x1000xf32>
    %reduce_max3A = vector.shape_cast %div3A_82 : vector<1x1000xf32> to vector<1x1x1000xf32>
    %reduce_max3A_83 = arith.constant dense<0xFF800000> : vector<1xf32>
    %reduce_max3A_84 = vector.multi_reduction <maximumf>, %reduce_max3A, %reduce_max3A_83 [1, 2] : vector<1x1x1000xf32> to vector<1xf32>
    %reduce_max3A_85 = vector.shape_cast %reduce_max3A_84 : vector<1xf32> to vector<1x1x1xf32>
    %reduce_max3A_86 = vector.extract %reduce_max3A_85[0, 0, 0] : f32 from vector<1x1x1xf32>
    %sub3A = vector.broadcast %reduce_max3A_86 : f32 to vector<1x1000xf32>
    %sub3A_87 = arith.subf %div3A_82, %sub3A : vector<1x1000xf32>
    %exp3A = math.exp %sub3A_87 : vector<1x1000xf32>
    %reduce_sum3A_88 = vector.shape_cast %exp3A : vector<1x1000xf32> to vector<1x1x1000xf32>
    %reduce_sum3A_89 = arith.constant dense<0.000000e+00> : vector<1xf32>
    %reduce_sum3A_90 = vector.multi_reduction <add>, %reduce_sum3A_88, %reduce_sum3A_89 [1, 2] : vector<1x1x1000xf32> to vector<1xf32>
    %reduce_sum3A_91 = vector.shape_cast %reduce_sum3A_90 : vector<1xf32> to vector<1x1x1xf32>
    %reduce_sum3A_92 = vector.extract %reduce_sum3A_91[0, 0, 0] : f32 from vector<1x1x1xf32>
    %div3A_93 = vector.broadcast %reduce_sum3A_92 : f32 to vector<1x1000xf32>
    %div3A_94 = arith.divf %exp3A, %div3A_93 : vector<1x1000xf32>
    %ge3A = arith.constant 0.00999999977 : f32
    %ge3A_95 = vector.broadcast %ge3A : f32 to vector<1x1000xf32>
    %ge3A_96 = arith.cmpf oge, %div3A_94, %ge3A_95 : vector<1x1000xf32>
    %jit3A_97 = arith.constant 0.000000e+00 : f32
    %broadcast_in_dim3A_98 = vector.broadcast %jit3A_97 : f32 to vector<1x1000xf32>
    %select_n3A_99 = arith.select %ge3A_96, %div3A_94, %broadcast_in_dim3A_98 : vector<1x1000xi1>, vector<1x1000xf32>
    %dot_general3A_100 = arith.constant dense<0.000000e+00> : vector<1000x1xf32>
    %dot_general3A_101 = tpu.matmul %select_n3A, %select_n3A_99, %dot_general3A_100 {dimension_numbers = #tpu.dot_dimension_numbers<[1], [1], [0], [0], [0, 0, 1, 0], [], []>, transpose_lhs_hint = false} : vector<1000x1000xf32>, vector<1x1000xf32>, vector<1000x1xf32> -> vector<1000x1xf32>
    %lt3A = vector.broadcast %dot_general3A_101 : vector<1000x1xf32> to vector<1000x1000xf32>
    %lt3A_102 = vector.broadcast %select_n3A_99 : vector<1x1000xf32> to vector<1000x1000xf32>
    %lt3A_103 = arith.cmpf olt, %lt3A, %lt3A_102 : vector<1000x1000xf32>
    %jit3A_104 = arith.constant 1.000000e+00 : f32
    %jit3A_105 = arith.constant 0.000000e+00 : f32
    %broadcast_in_dim3A_106 = vector.broadcast %jit3A_104 : f32 to vector<1000x1000xf32>
    %broadcast_in_dim3A_107 = vector.broadcast %jit3A_105 : f32 to vector<1000x1000xf32>
    %select_n3A_108 = arith.select %lt3A_103, %broadcast_in_dim3A_106, %broadcast_in_dim3A_107 : vector<1000x1000xi1>, vector<1000x1000xf32>
    %broadcast_in_dim3A_109 = arith.constant 1.000000e+00 : f32
    %broadcast_in_dim3A_110 = vector.broadcast %broadcast_in_dim3A_109 : f32 to vector<1000x1xf32>
    %dot_general3A_111 = arith.constant dense<0.000000e+00> : vector<1000x1xf32>
    %dot_general3A_112 = tpu.matmul %select_n3A_108, %broadcast_in_dim3A_110, %dot_general3A_111 {dimension_numbers = #tpu.dot_dimension_numbers<[1], [0], [0], [1], [0, 0, 1, 1], [], []>, transpose_lhs_hint = false} : vector<1000x1000xf32>, vector<1000x1xf32>, vector<1000x1xf32> -> vector<1000x1xf32>
    %iota3A_113 = tpu.iota {dimensions = array<i32: 1>} : vector<1x64xi32>
    %convert_element_type3A = arith.sitofp %iota3A_113 : vector<1x64xi32> to vector<1x64xf32>
    %eq3A_114 = vector.broadcast %dot_general3A_112 : vector<1000x1xf32> to vector<1000x64xf32>
    %eq3A_115 = vector.broadcast %convert_element_type3A : vector<1x64xf32> to vector<1000x64xf32>
    %eq3A_116 = arith.cmpf oeq, %eq3A_114, %eq3A_115 : vector<1000x64xf32>
    %jit3A_117 = arith.constant 1.000000e+00 : f32
    %jit3A_118 = arith.constant 0.000000e+00 : f32
    %broadcast_in_dim3A_119 = vector.broadcast %jit3A_117 : f32 to vector<1000x64xf32>
    %broadcast_in_dim3A_120 = vector.broadcast %jit3A_118 : f32 to vector<1000x64xf32>
    %select_n3A_121 = arith.select %eq3A_116, %broadcast_in_dim3A_119, %broadcast_in_dim3A_120 : vector<1000x64xi1>, vector<1000x64xf32>
    %iota3A_122 = tpu.iota {dimensions = array<i32: 1>} : vector<1x1000xi32>
    %convert_element_type3A_123 = arith.sitofp %iota3A_122 : vector<1x1000xi32> to vector<1x1000xf32>
    %dot_general3A_124 = arith.constant dense<0.000000e+00> : vector<1x64xf32>
    %dot_general3A_125 = tpu.matmul %convert_element_type3A_123, %select_n3A_121, %dot_general3A_124 {dimension_numbers = #tpu.dot_dimension_numbers<[1], [0], [0], [1], [0, 0, 1, 1], [], []>, transpose_lhs_hint = false} : vector<1x1000xf32>, vector<1000x64xf32>, vector<1x64xf32> -> vector<1x64xf32>
    %dot_general3A_126 = arith.constant dense<0.000000e+00> : vector<1x64xf32>
    %dot_general3A_127 = tpu.matmul %select_n3A_99, %select_n3A_121, %dot_general3A_126 {dimension_numbers = #tpu.dot_dimension_numbers<[1], [0], [0], [1], [0, 0, 1, 1], [], []>, transpose_lhs_hint = false} : vector<1x1000xf32>, vector<1000x64xf32>, vector<1x64xf32> -> vector<1x64xf32>
    %lt3A_128 = arith.constant 5.000000e+01 : f32
    %lt3A_129 = vector.broadcast %lt3A_128 : f32 to vector<1x64xf32>
    %lt3A_130 = arith.cmpf olt, %convert_element_type3A, %lt3A_129 : vector<1x64xf32>
    %jit3A_131 = arith.constant 0.000000e+00 : f32
    %broadcast_in_dim3A_132 = vector.broadcast %jit3A_131 : f32 to vector<1x64xf32>
    %select_n3A_133 = arith.select %lt3A_130, %dot_general3A_127, %broadcast_in_dim3A_132 : vector<1x64xi1>, vector<1x64xf32>
    %reduce_sum3A_134 = vector.shape_cast %select_n3A_133 : vector<1x64xf32> to vector<1x1x64xf32>
    %reduce_sum3A_135 = arith.constant dense<0.000000e+00> : vector<1xf32>
    %reduce_sum3A_136 = vector.multi_reduction <add>, %reduce_sum3A_134, %reduce_sum3A_135 [1, 2] : vector<1x1x64xf32> to vector<1xf32>
    %reduce_sum3A_137 = vector.shape_cast %reduce_sum3A_136 : vector<1xf32> to vector<1x1x1xf32>
    %reduce_sum3A_138 = vector.extract %reduce_sum3A_137[0, 0, 0] : f32 from vector<1x1x1xf32>
    %add3A_139 = arith.constant 9.99999971E-10 : f32
    %add3A_140 = arith.addf %reduce_sum3A_138, %add3A_139 : f32
    %div3A_141 = arith.constant 2.000000e+00 : f32
    %div3A_142 = arith.divf %div3A_141, %add3A_140 : f32
    %mul3A_143 = vector.broadcast %div3A_142 : f32 to vector<1x64xf32>
    %mul3A_144 = arith.mulf %dot_general3A_127, %mul3A_143 : vector<1x64xf32>
    %jit3A_145 = arith.constant 0.000000e+00 : f32
    %broadcast_in_dim3A_146 = vector.broadcast %jit3A_145 : f32 to vector<1x64xf32>
    %select_n3A_147 = arith.select %lt3A_130, %mul3A_144, %broadcast_in_dim3A_146 : vector<1x64xi1>, vector<1x64xf32>
    %swap3A = arith.constant 0 : index
    %swap3A_148 = arith.constant 0 : index
    %swap3A_149 = vector.load %arg3[%swap3A, %swap3A_148] : memref<1x64xf32, #tpu.memory_space<vmem>>, vector<1x64xf32>
    tpu.vector_store %arg3[%swap3A, %swap3A_148], %select_n3A_147 {strides = array<i32>} : memref<1x64xf32, #tpu.memory_space<vmem>>, vector<1x64xf32>,
    %iota3A_150 = tpu.iota {dimensions = array<i32: 0>} : vector<64x256xi32>
    %iota3A_151 = tpu.iota {dimensions = array<i32: 1>} : vector<64x256xi32>
    %jit3A_152 = arith.constant 2 : i32
    %div3A_153 = vector.broadcast %jit3A_152 : i32 to vector<64x256xi32>
    %div3A_154 = arith.divsi %iota3A_150, %div3A_153 : vector<64x256xi32>
    %sign3A = arith.constant 0 : i32
    %sign3A_155 = vector.broadcast %sign3A : i32 to vector<64x256xi32>
    %sign3A_156 = arith.cmpi sgt, %iota3A_150, %sign3A_155 : vector<64x256xi32>
    %sign3A_157 = arith.extui %sign3A_156 : vector<64x256xi1> to vector<64x256xi32>
    %sign3A_158 = arith.constant 0 : i32
    %sign3A_159 = vector.broadcast %sign3A_158 : i32 to vector<64x256xi32>
    %sign3A_160 = arith.cmpi slt, %iota3A_150, %sign3A_159 : vector<64x256xi32>
    %sign3A_161 = arith.extui %sign3A_160 : vector<64x256xi1> to vector<64x256xi32>
    %sign3A_162 = arith.subi %sign3A_157, %sign3A_161 : vector<64x256xi32>
    %sign3A_163 = arith.constant 0 : i32
    %sign3A_164 = arith.cmpi sgt, %jit3A_152, %sign3A_163 : i32
    %sign3A_165 = arith.extui %sign3A_164 : i1 to i32
    %sign3A_166 = arith.constant 0 : i32
    %sign3A_167 = arith.cmpi slt, %jit3A_152, %sign3A_166 : i32
    %sign3A_168 = arith.extui %sign3A_167 : i1 to i32
    %sign3A_169 = arith.subi %sign3A_165, %sign3A_168 : i32
    %ne3A = vector.broadcast %sign3A_169 : i32 to vector<64x256xi32>
    %ne3A_170 = arith.cmpi ne, %sign3A_162, %ne3A : vector<64x256xi32>
    %rem3A = vector.broadcast %jit3A_152 : i32 to vector<64x256xi32>
    %rem3A_171 = arith.remsi %iota3A_150, %rem3A : vector<64x256xi32>
    %ne3A_172 = arith.constant 0 : i32
    %ne3A_173 = vector.broadcast %ne3A_172 : i32 to vector<64x256xi32>
    %ne3A_174 = arith.cmpi ne, %rem3A_171, %ne3A_173 : vector<64x256xi32>
    %and3A = arith.andi %ne3A_170, %ne3A_174 : vector<64x256xi1>
    %sub3A_175 = arith.constant 1 : i32
    %sub3A_176 = vector.broadcast %sub3A_175 : i32 to vector<64x256xi32>
    %sub3A_177 = arith.subi %div3A_154, %sub3A_176 : vector<64x256xi32>
    %select_n3A_178 = arith.select %and3A, %sub3A_177, %div3A_154 : vector<64x256xi1>, vector<64x256xi32>
    %mul3A_179 = arith.constant 8 : i32
    %mul3A_180 = vector.broadcast %mul3A_179 : i32 to vector<64x256xi32>
    %mul3A_181 = arith.muli %mul3A_180, %select_n3A_178 : vector<64x256xi32>
    %jit3A_182 = arith.constant 2 : i32
    %eq3A_183 = arith.constant 0 : i32
    %eq3A_184 = arith.cmpi eq, %jit3A_182, %eq3A_183 : i32
    %jit3A_185 = arith.constant 1 : i32
    %select_n3A_186 = arith.select %eq3A_184, %jit3A_185, %jit3A_182 : i32
    %rem3A_187 = vector.broadcast %select_n3A_186 : i32 to vector<64x256xi32>
    %rem3A_188 = arith.remsi %iota3A_150, %rem3A_187 : vector<64x256xi32>
    %ne3A_189 = arith.constant 0 : i32
    %ne3A_190 = vector.broadcast %ne3A_189 : i32 to vector<64x256xi32>
    %ne3A_191 = arith.cmpi ne, %rem3A_188, %ne3A_190 : vector<64x256xi32>
    %lt3A_192 = arith.constant 0 : i32
    %lt3A_193 = vector.broadcast %lt3A_192 : i32 to vector<64x256xi32>
    %lt3A_194 = arith.cmpi slt, %rem3A_188, %lt3A_193 : vector<64x256xi32>
    %lt3A_195 = arith.constant 0 : i32
    %lt3A_196 = arith.cmpi slt, %select_n3A_186, %lt3A_195 : i32
    %ne3A_197 = vector.broadcast %lt3A_196 : i1 to vector<64x256xi1>
    %ne3A_198 = vector.broadcast %ne3A_197 : vector<64x256xi1> to vector<64x256xi1>
    %ne3A_199 = arith.xori %lt3A_194, %ne3A_198 : vector<64x256xi1>
    %and3A_200 = arith.andi %ne3A_199, %ne3A_191 : vector<64x256xi1>
    %add3A_201 = vector.broadcast %select_n3A_186 : i32 to vector<64x256xi32>
    %add3A_202 = arith.addi %rem3A_188, %add3A_201 : vector<64x256xi32>
    %select_n3A_203 = arith.select %and3A_200, %add3A_202, %rem3A_188 : vector<64x256xi1>, vector<64x256xi32>
    %add3A_204 = arith.addi %mul3A_181, %select_n3A_203 : vector<64x256xi32>
    %eq3A_205 = arith.cmpi eq, %iota3A_151, %add3A_204 : vector<64x256xi32>
    %jit3A_206 = arith.constant 1.000000e+00 : f32
    %jit3A_207 = arith.constant 0.000000e+00 : f32
    %broadcast_in_dim3A_208 = vector.broadcast %jit3A_206 : f32 to vector<64x256xf32>
    %broadcast_in_dim3A_209 = vector.broadcast %jit3A_207 : f32 to vector<64x256xf32>
    %select_n3A_210 = arith.select %eq3A_205, %broadcast_in_dim3A_208, %broadcast_in_dim3A_209 : vector<64x256xi1>, vector<64x256xf32>
    %dot_general3A_211 = arith.constant dense<0.000000e+00> : vector<1x256xf32>
    %dot_general3A_212 = tpu.matmul %dot_general3A_125, %select_n3A_210, %dot_general3A_211 {dimension_numbers = #tpu.dot_dimension_numbers<[1], [0], [0], [1], [0, 0, 1, 1], [], []>, transpose_lhs_hint = false} : vector<1x64xf32>, vector<64x256xf32>, vector<1x256xf32> -> vector<1x256xf32>
    %jit3A_213 = arith.constant 0.000000e+00 : f32
    %jit3A_214 = arith.constant 9.990000e+02 : f32
    %max3A = vector.broadcast %jit3A_213 : f32 to vector<1x256xf32>
    %max3A_215 = arith.maximumf %max3A, %dot_general3A_212 : vector<1x256xf32>
    %min3A = vector.broadcast %jit3A_214 : f32 to vector<1x256xf32>
    %min3A_216 = arith.minimumf %min3A, %max3A_215 : vector<1x256xf32>
    %convert_element_type3A_217 = arith.fptosi %min3A_216 : vector<1x256xf32> to vector<1x256xi32>
    %swap3A_218 = arith.constant 0 : index
    %swap3A_219 = arith.constant 0 : index
    %swap3A_220 = vector.load %arg2[%swap3A_218, %swap3A_219] : memref<1x256xi32, #tpu.memory_space<vmem>>, vector<1x256xi32>
    tpu.vector_store %arg2[%swap3A_218, %swap3A_219], %convert_element_type3A_217 {strides = array<i32>} : memref<1x256xi32, #tpu.memory_space<vmem>>, vector<1x256xi32>,
    return
  }
}

module attributes {stable_mosaic.version = 14 : i64} {
  func.func @_merge_body(%arg0: memref<1024x1024xf32, #tpu.memory_space<vmem>>, %arg1: memref<1024x1024xf32, #tpu.memory_space<vmem>>, %arg2: memref<1024x1024xf32, #tpu.memory_space<vmem>>, %arg3: memref<1x64xf32, #tpu.memory_space<vmem>>, %arg4: memref<1024x1024xf32, #tpu.memory_space<vmem>>) attributes {dimension_semantics = [], scalar_prefetch = 0 : i64, scratch_operands = 0 : i64, tpu.core_type = #tpu.core_type<tc>} {
    %iota3A = tpu.iota {dimensions = array<i32: 0>} : vector<1024x64xi32>
    %jit3A = arith.constant 16 : i32
    %div3A = vector.broadcast %jit3A : i32 to vector<1024x64xi32>
    %div3A_0 = arith.divsi %iota3A, %div3A : vector<1024x64xi32>
    %sign3A = arith.constant 0 : i32
    %sign3A_1 = vector.broadcast %sign3A : i32 to vector<1024x64xi32>
    %sign3A_2 = arith.cmpi sgt, %iota3A, %sign3A_1 : vector<1024x64xi32>
    %sign3A_3 = arith.extui %sign3A_2 : vector<1024x64xi1> to vector<1024x64xi32>
    %sign3A_4 = arith.constant 0 : i32
    %sign3A_5 = vector.broadcast %sign3A_4 : i32 to vector<1024x64xi32>
    %sign3A_6 = arith.cmpi slt, %iota3A, %sign3A_5 : vector<1024x64xi32>
    %sign3A_7 = arith.extui %sign3A_6 : vector<1024x64xi1> to vector<1024x64xi32>
    %sign3A_8 = arith.subi %sign3A_3, %sign3A_7 : vector<1024x64xi32>
    %sign3A_9 = arith.constant 0 : i32
    %sign3A_10 = arith.cmpi sgt, %jit3A, %sign3A_9 : i32
    %sign3A_11 = arith.extui %sign3A_10 : i1 to i32
    %sign3A_12 = arith.constant 0 : i32
    %sign3A_13 = arith.cmpi slt, %jit3A, %sign3A_12 : i32
    %sign3A_14 = arith.extui %sign3A_13 : i1 to i32
    %sign3A_15 = arith.subi %sign3A_11, %sign3A_14 : i32
    %ne3A = vector.broadcast %sign3A_15 : i32 to vector<1024x64xi32>
    %ne3A_16 = arith.cmpi ne, %sign3A_8, %ne3A : vector<1024x64xi32>
    %rem3A = vector.broadcast %jit3A : i32 to vector<1024x64xi32>
    %rem3A_17 = arith.remsi %iota3A, %rem3A : vector<1024x64xi32>
    %ne3A_18 = arith.constant 0 : i32
    %ne3A_19 = vector.broadcast %ne3A_18 : i32 to vector<1024x64xi32>
    %ne3A_20 = arith.cmpi ne, %rem3A_17, %ne3A_19 : vector<1024x64xi32>
    %and3A = arith.andi %ne3A_16, %ne3A_20 : vector<1024x64xi1>
    %sub3A = arith.constant 1 : i32
    %sub3A_21 = vector.broadcast %sub3A : i32 to vector<1024x64xi32>
    %sub3A_22 = arith.subi %div3A_0, %sub3A_21 : vector<1024x64xi32>
    %select_n3A = arith.select %and3A, %sub3A_22, %div3A_0 : vector<1024x64xi1>, vector<1024x64xi32>
    %iota3A_23 = tpu.iota {dimensions = array<i32: 1>} : vector<1024x64xi32>
    %eq3A = arith.cmpi eq, %select_n3A, %iota3A_23 : vector<1024x64xi32>
    %jit3A_24 = arith.constant 1.000000e+00 : f32
    %jit3A_25 = arith.constant 0.000000e+00 : f32
    %broadcast_in_dim3A = vector.broadcast %jit3A_24 : f32 to vector<1024x64xf32>
    %broadcast_in_dim3A_26 = vector.broadcast %jit3A_25 : f32 to vector<1024x64xf32>
    %select_n3A_27 = arith.select %eq3A, %broadcast_in_dim3A, %broadcast_in_dim3A_26 : vector<1024x64xi1>, vector<1024x64xf32>
    %get3A = arith.constant 0 : index
    %get3A_28 = arith.constant 0 : index
    %get3A_29 = vector.load %arg3[%get3A, %get3A_28] : memref<1x64xf32, #tpu.memory_space<vmem>>, vector<1x64xf32>
    %dot_general3A = arith.constant dense<0.000000e+00> : vector<1024x1xf32>
    %dot_general3A_30 = tpu.matmul %select_n3A_27, %get3A_29, %dot_general3A {dimension_numbers = #tpu.dot_dimension_numbers<[1], [1], [0], [0], [0, 0, 1, 0], [], []>, transpose_lhs_hint = false} : vector<1024x64xf32>, vector<1x64xf32>, vector<1024x1xf32> -> vector<1024x1xf32>
    %get3A_31 = arith.constant 0 : index
    %get3A_32 = arith.constant 0 : index
    %get3A_33 = vector.load %arg1[%get3A_31, %get3A_32] : memref<1024x1024xf32, #tpu.memory_space<vmem>>, vector<1024x1024xf32>
    %mul3A = vector.broadcast %dot_general3A_30 : vector<1024x1xf32> to vector<1024x1024xf32>
    %mul3A_34 = arith.mulf %get3A_33, %mul3A : vector<1024x1024xf32>
    %convert_element_type3A = arith.truncf %mul3A_34 : vector<1024x1024xf32> to vector<1024x1024xbf16>
    %get3A_35 = arith.constant 0 : index
    %get3A_36 = arith.constant 0 : index
    %get3A_37 = vector.load %arg0[%get3A_35, %get3A_36] : memref<1024x1024xf32, #tpu.memory_space<vmem>>, vector<1024x1024xf32>
    %convert_element_type3A_38 = arith.truncf %get3A_37 : vector<1024x1024xf32> to vector<1024x1024xbf16>
    %dot_general3A_39 = arith.constant dense<0.000000e+00> : vector<1024x1024xf32>
    %dot_general3A_40 = tpu.matmul %convert_element_type3A, %convert_element_type3A_38, %dot_general3A_39 {dimension_numbers = #tpu.dot_dimension_numbers<[0], [0], [1], [1], [0, 1, 1, 1], [], []>, transpose_lhs_hint = false} : vector<1024x1024xbf16>, vector<1024x1024xbf16>, vector<1024x1024xf32> -> vector<1024x1024xf32>
    %get3A_41 = arith.constant 0 : index
    %get3A_42 = arith.constant 0 : index
    %get3A_43 = vector.load %arg2[%get3A_41, %get3A_42] : memref<1024x1024xf32, #tpu.memory_space<vmem>>, vector<1024x1024xf32>
    %add3A = arith.addf %get3A_43, %dot_general3A_40 : vector<1024x1024xf32>
    %swap3A = arith.constant 0 : index
    %swap3A_44 = arith.constant 0 : index
    %swap3A_45 = vector.load %arg4[%swap3A, %swap3A_44] : memref<1024x1024xf32, #tpu.memory_space<vmem>>, vector<1024x1024xf32>
    tpu.vector_store %arg4[%swap3A, %swap3A_44], %add3A {strides = array<i32>} : memref<1024x1024xf32, #tpu.memory_space<vmem>>, vector<1024x1024xf32>,
    return
  }
}

</mosaic_0001>

<sc_bundles>
// kernel: kernel.5.cloned.1.call-start
scs
__scs_entry_jumppad:
0x0: {  	(pc) =	sbr.rel $0x88, $3  }
0x1: {  	(tag) =	ssettag $0x0;
	lr =	simm.s32 $0x1  }
0x2: {  	[smem:$0x3F9C] =	sst lr;
	_ =	strace $0xD0000000  }
0x3: {  	_ = 	snop  }
0x4: {  	_ = 	snop  }
0x5: {  	_ = 	snop  }
0x6: {  	_ = 	snop  }
0x7: {  	_ = 	snop  }
__scs_overlays_trampoline_lowered:
0x8: {  	[smem:$0x3FAB] =	sst s0  }
0x9: {  	[smem:$0x3FAC] =	sst s1  }
0xa: {  	[smem:$0x3FAD] =	sst s2  }
0xb: {  	[smem:$0x3FAE] =	sst s3  }
0xc: {  	[smem:$0x3FAF] =	sst s4  }
0xd: {  	[smem:$0x3FB0] =	sst s5  }
0xe: {  	[smem:$0x3FB1] =	sst s6  }
0xf: {  	[smem:$0x3FB2] =	sst s7  }
0x10: {  	[smem:$0x3FB3] =	sst s8  }
0x11: {  	[smem:$0x3FB4] =	sst s9;
	s0 =	simm.s32 @!p0 $0x0  }
0x12: {  	s1 =	sld [smem:$0x3F9A];
	s0 =	simm.s32 @p0 $0x1  }
0x13: {  	[smem:$0x3FB5] =	sst s0;
	s0 =	simm.s32 @!p1 $0x0  }
0x14: {  	s2 =	sld [smem:$0x3F99];
	s0 =	simm.s32 @p1 $0x1  }
0x15: {  	[smem:$0x3FB6] =	sst s0;
	s0 =	simm.s32 @!p2 $0x0  }
0x16: {  	s3 =	sld [smem:$0x3FDB];
	s0 =	simm.s32 @p2 $0x1  }
0x17: {  	s4 =	simm.s32 $0x1BF5;
	[smem:$0x3FB8] =	sst s0  }
0x18: {  	s0 =	sld [smem:$0x3F9B];
	_ =	swait.ge [sflag:s4], $0x0  }
0x19: {  	s7 =	sld [smem:$0x3F9C]  }
0x1a: {  	s8 =	sadd.s32 $0xFFFFE003, lr  }
0x1b: {  	s9 =	sadd.s32 $0xFFFFFEF7, lr;
	s5 =	simm.s32 $0xFFFFFFFF;
	p2 =	slt.u32 s8, $0xFFFFF086  }
0x1c: {  	p1 =	slt.u32 s9, $0xF7A;
	s5 =	simm.s32 @!p2 $0x0  }
0x1d: {  	s5 =	simm.s32 @p1 $0x1;
	p0 =	seq.s32 s7, s2  }
0x1e: {  	s7 =	smul.u32 @!p0 $0xF7A, s2;
	p2 =	seq.s32 @!p0 s5, $0x0  }
0x1f: {  	s9 =	smul.u32 $0xF7A, s1;
	s8 =	simm.s32 @!p0 $0x1BF5;
	p2 =	por !p2, p0  }
0x20: {  	[sflag:s8] =	ssyncset.s32 @!p0 $0xFFFFF086;
	s6 =	sadd.s32 @!p0 s3, s7;
	s7 =	simm.s32 @!p0 $0x108  }
0x21: {  	s3 =	sadd.s32 s3, s9;
	s6 =	sadd.s32 @!p0 $0x88, s6;
	s7 =	simm.s32 @p2 $0x1082  }
0x22: {  	[simem:s7], [sflag:s8] =	dma.local @!p0 [hbm:s6], $0xF7A  }
0x23: {  	s9 =	sor.u32 $0xD0000000, s2;
	s6 =	simm.s32 $0x108;
	_ =	swait.ge @!p0 [sflag:s8], $0x0  }
0x24: {  	s3 =	sadd.s32 $0x88, s3;
	s6 =	simm.s32 @!p1 $0x1082;
	[sflag:s4] =	ssyncset.s32 $0xFFFFF086  }
0x25: {  	[simem:s6], [sflag:s4] =	dma.local [hbm:s3], $0xF7A  }
0x26: {  	[smem:$0x3F9C] =	sst s1;
	(tag) =	ssettag s2;
	_ =	strace s9  }
0x27: {  	s1 =	sld [smem:$0x3FAC]  }
0x28: {  	s2 =	sld [smem:$0x3FAD]  }
0x29: {  	s4 =	sld [smem:$0x3FAF]  }
0x2a: {  	p0 =	seq.s32 s5, $0x0;
	s5 =	sld [smem:$0x3FB0]  }
0x2b: {  	s6 =	sld [smem:$0x3FB1]  }
0x2c: {  	s7 =	sld [smem:$0x3FB2]  }
0x2d: {  	s3 =	simm.s32 $0x108;
	s8 =	sld [smem:$0x3FB3]  }
0x2e: {  	s3 =	simm.s32 @!p0 $0x1082;
	s9 =	sld [smem:$0x3FB4]  }
0x2f: {  	lr =	sadd.s32 s0, s3;
	s0 =	sld [smem:$0x3FAB]  }
0x30: {  	s3 =	sld [smem:$0x3FAE]  }
0x31: {  	[smem:$0x3FB7] =	sst s10  }
0x32: {  	s10 =	sld [smem:$0x3FB5];
	_ =	sdelay $0x3  }
0x33: {  	p0 =	seq.s32 s10, $0x1;
	s10 =	sld [smem:$0x3FB7];
	_ =	sdelay $0x3  }
0x34: {  	[smem:$0x3FB7] =	sst s10  }
0x35: {  	s10 =	sld [smem:$0x3FB6];
	_ =	sdelay $0x3  }
0x36: {  	p1 =	seq.s32 s10, $0x1;
	s10 =	sld [smem:$0x3FB7];
	_ =	sdelay $0x3  }
0x37: {  	[smem:$0x3FB7] =	sst s10  }
0x38: {  	s10 =	sld [smem:$0x3FB8]  }
0x39: {  	_ = 	snop;
	(pc) =	sbr.ind lr, $3  }
0x3a: {  	_ = 	snop  }
0x3b: {  	_ = 	snop  }
0x3c: {  	p2 =	seq.s32 s10, $0x1;
	s10 =	sld [smem:$0x3FB7]  }
0x3d: {  	_ =	shalt  }
0x3e: {  	_ =	shalt  }
0x3f: {  	_ =	shalt  }
0x40: {  	_ =	shalt  }
0x41: {  	_ =	shalt  }
0x42: {  	_ =	shalt  }
0x43: {  	_ =	shalt  }
0x44: {  	_ =	shalt  }
0x45: {  	_ =	shalt  }
0x46: {  	_ =	shalt  }
0x47: {  	_ =	shalt  }
0x48: {  	_ =	shalt  }
0x49: {  	_ =	shalt  }
0x4a: {  	_ =	shalt  }
0x4b: {  	_ =	shalt  }
0x4c: {  	_ =	shalt  }
0x4d: {  	_ =	shalt  }
0x4e: {  	_ =	shalt  }
0x4f: {  	_ =	shalt  }
0x50: {  	_ =	shalt  }
0x51: {  	_ =	shalt  }
0x52: {  	_ =	shalt  }
0x53: {  	_ =	shalt  }
0x54: {  	_ =	shalt  }
0x55: {  	_ =	shalt  }
0x56: {  	_ =	shalt  }
0x57: {  	_ =	shalt  }
0x58: {  	_ =	shalt  }
0x59: {  	_ =	shalt  }
0x5a: {  	_ =	shalt  }
0x5b: {  	_ =	shalt  }
0x5c: {  	_ =	shalt  }
0x5d: {  	_ =	shalt  }
0x5e: {  	_ =	shalt  }
0x5f: {  	_ =	shalt  }
0x60: {  	_ =	shalt  }
0x61: {  	_ =	shalt  }
0x62: {  	_ =	shalt  }
0x63: {  	_ =	shalt  }
0x64: {  	_ =	shalt  }
0x65: {  	_ =	shalt  }
0x66: {  	_ =	shalt  }
0x67: {  	_ =	shalt  }
0x68: {  	_ =	shalt  }
0x69: {  	_ =	shalt  }
0x6a: {  	_ =	shalt  }
0x6b: {  	_ =	shalt  }
0x6c: {  	_ =	shalt  }
0x6d: {  	_ =	shalt  }
0x6e: {  	_ =	shalt  }
0x6f: {  	_ =	shalt  }
0x70: {  	_ =	shalt  }
0x71: {  	_ =	shalt  }
0x72: {  	_ =	shalt  }
0x73: {  	_ =	shalt  }
0x74: {  	_ =	shalt  }
0x75: {  	_ =	shalt  }
0x76: {  	_ =	shalt  }
0x77: {  	_ =	shalt  }
0x78: {  	_ =	shalt  }
0x79: {  	_ =	shalt  }
0x7a: {  	_ =	shalt  }
0x7b: {  	_ =	shalt  }
0x7c: {  	_ =	shalt  }
0x7d: {  	_ =	shalt  }
0x7e: {  	_ =	shalt  }
0x7f: {  	_ =	shalt  }
0x80: {  	_ =	shalt  }
0x81: {  	_ =	shalt  }
0x82: {  	_ =	shalt  }
0x83: {  	_ =	shalt  }
0x84: {  	_ =	shalt  }
0x85: {  	_ =	shalt  }
0x86: {  	_ =	shalt  }
0x87: {  	_ =	shalt  }
.Lfunc_end0:
.L_simem_size_0:
called_computation.2_lowered:
.L_overlay_start_0:
0x88: {  	s2 =	sld [smem:$0x3FD9]  }
0x89: {  	s3 =	sld [smem:$0x3FFE];
	_ =	sdelay $0x1  }
0x8a: {  	s1 =	srdreg.scid  }
0x8b: {  	s0 =	sand.u32 $0x1, s1  }
0x8c: {  	s17 =	sshll.u32 s0, $0xA;
	s2 =	sadd.s32 s3, s2  }
0x8d: {  	s2 =	sadd.s32 s2, s17  }
0x8e: {  	[smem:$0x3FC3] =	sst s2  }
0x8f: {  	_ = 	snop  }
0x90: {  	s2 =	sld [smem:$0x3FD0];
	(tm) =	ssettm $0x1  }
0x91: {  	s18 =	sld [smem:$0x3FFB];
	_ =	sdelay $0x3  }
0x92: {  	_ =	strace s18  }
0x93: {  	s3 =	sld [smem:$0x3FFC];
	_ =	sdelay $0x3  }
0x94: {  	_ =	strace s3  }
0x95: {  	s3 =	sld [smem:$0x3FFD];
	_ =	sdelay $0x3  }
0x96: {  	_ =	strace s3  }
0x97: {  	_ =	strace $0x8FFFFFFF  }
0x98: {  	s19 =	sld [smem:$0x3FDB];
	_ =	sdelay $0x1  }
0x99: {  	s4 =	simm.s32 $_scs_section_size  }
0x9a: {  	s5 =	simm.s32 $_size__tile_overlayer_lowered;
	s6 =	simm.s32 $_tile_overlayer_lowered  }
0x9b: {  	s22 =	simm.s32 $0x1BFF;
	s21 =	sshll.u32 s6, $0x1;
	s3 =	sadd.s32 s4, s19  }
0x9c: {  	s7 =	simm.s32 $0x0;
	s20 =	sshll.u32 s5, $0x1;
	s5 =	sadd.s32 s21, s3  }
0x9d: {  	[timem:s7], [sflag:s22] =	dma.local [hbm:s5], s20  }
0x9e: {  	_ =	swait.ge [sflag:s22], s20  }
0x9f: {  	s4 =	ssub.s32 $0x0, s20;
	[sflag:s22] =	ssyncset.done $0x0  }
0xa0: {  	[sflag:s22] =	ssyncadd.s32 s4;
	_ =	sdelay $0x1  }
0xa1: {  	s23 =	simm.s32 $0x1B8B  }
0xa2: {  	_ =	swait.ge [sflag:s23], $0x1  }
0xa3: {  	[sflag:s23] =	ssyncset.done $0x0  }
0xa4: {  	s25 =	simm.s32 $0x1B8E;
	s24 =	sld [smem:$0x3FFE];
	[sflag:s23] =	ssyncadd.s32 $0xFFFFFFFF  }
0xa5: {  	s26 =	simm.s32 $execute0_lowered;
	[smem:$0x3FD2] =	sst s25  }
0xa6: {  	s5 =	sshll.u32 s26, $0x1;
	_ =	strace $0x8000004C;
	[dreg:$0x1] =	wrdreg $0xFFFFFFFF  }
0xa7: {  	s28 =	simm.s32 $_size_execute0_lowered;
	s3 =	sadd.s32 s3, s5;
	[dreg:$0x0] =	wrdreg $0x0  }
0xa8: {  	s5 =	sshll.u32 s28, $0x1;
	[dreg:$0x2] =	wrdreg s3  }
0xa9: {  	[dreg:$0x3] =	wrdreg s5  }
0xaa: {  	[dreg:$0x4] =	wrdreg $0xC0  }
0xab: {  	_ =	task [dreg:s7], $0x5FFFF  }
0xac: {  	[dreg:$0x1] =	wrdreg $0xFFFFFFFF  }
0xad: {  	[dreg:$0x0] =	wrdreg $0x60  }
0xae: {  	[dreg:$0x2] =	wrdreg s24  }
0xaf: {  	[dreg:$0x3] =	wrdreg s2  }
0xb0: {  	[dreg:$0x4] =	wrdreg $0x9  }
0xb1: {  	_ =	task.clear_ibuf [dreg:s7], $0x5FFFF;
	_ =	strace $0x9000004C  }
0xb2: {  	s29 =	simm.s32 $0x9;
	_ =	strace $0x8000004E  }
0xb3: {  	_ =	swait.ge [sflag:s29], $0x1  }
0xb4: {  	[sflag:s29] =	ssyncadd.s32 $0xFFFFFFFF  }
0xb5: {  	_ =	strace $0x9000004E  }
0xb6: {  	_ =	sfence  }
0xb7: {  	s30 =	sld [smem:$0x0];
	_ =	sdelay $0x2  }
0xb8: {  	s31 =	sshll.u32 s1, $0xD;
	s1 =	sshrl.u32 s1, $0x2  }
0xb9: {  	s3 =	sand.u32 $0x4000, s31;
	s1 =	sadd.s32 s1, s30  }
0xba: {  	s0 =	sor.u32 s3, s0;
	s1 =	sshll.u32 s1, $0x11  }
0xbb: {  	s0 =	sor.u32 s1, s0  }
0xbc: {  	s0 =	sadd.s32 $0x8F2B, s0  }
0xbd: {  	[sflag:s0] =	ssyncadd.remote.s32 $0x1  }
0xbe: {  	_ =	sfence.sel $0xFFFF  }
0xbf: {  	[dreg:$0x0] =	wrdreg $0xFFFFFFFF;
	(pc) =	sbr.abs _section_cstart, $3  }
0xc0: {  	[dreg:$0x1] =	wrdreg $0xFFFFFFFF  }
0xc1: {  	_ =	task.clear_ibuf [dreg:s7], $0x2FFFF;
	_ =	strace $0x9FFFFFFF  }
0xc2: {  	(tm) =	ssettm $0x7FFFFFFF  }
0xc3: {  	_ =	shalt  }
tec
execute0_lowered:
.L_overlay_start_1:
0x0: {  	(tag) =	ssettag $0x1  }
0x1: {  	s0 =	rddreg [dreg:$0x0]  }
0x2: {  	s3 =	rddreg [dreg:$0x1];
	s2 =	simm.s32 $0x0  }
0x3: {  	[smem:$0x7FF] =	sst s2;
	s6 =	sadd.s32 $0x1600, s0  }
0x4: {  	s20 =	sadd.s32 $0x1F5600, s0;
	_ =	strace $0x8000004D;
	[dreg:$0x3] =	wrdreg s6  }
0x5: {  	s22 =	sadd.s32 $0x1A00, s0;
	[dreg:$0x4] =	wrdreg s20  }
0x6: {  	s23 =	sadd.s32 $0x1E00, s0;
	[dreg:$0x6] =	wrdreg s22  }
0x7: {  	s24 =	sadd.s32 $0x2200, s0;
	[dreg:$0x7] =	wrdreg s23  }
0x8: {  	s4 =	srdreg.scid;
	s25 =	sadd.s32 $0x2600, s0;
	[dreg:$0x8] =	wrdreg s24  }
0x9: {  	s1 =	stileid.u32;
	s26 =	sadd.s32 $0x2A00, s0;
	[dreg:$0x9] =	wrdreg s25  }
0xa: {  	s28 =	simm.s32 $0x7080;
	s8 =	sadd.s32 $0x3200, s0;
	[dreg:$0xa] =	wrdreg s26  }
0xb: {  	s29 =	simm.s32 $0x7880;
	s9 =	sadd.s32 $0x3600, s0;
	[dreg:$0xc] =	wrdreg s8  }
0xc: {  	s30 =	simm.s32 $0x1;
	s10 =	sadd.s32 $0x3A00, s0;
	[dreg:$0xd] =	wrdreg s9  }
0xd: {  	s31 =	simm.s32 $0x100;
	s11 =	sadd.s32 $0x3E00, s0;
	[dreg:$0xe] =	wrdreg s10  }
0xe: {  	s4 =	sand.u32 $0x1, s4;
	s13 =	sadd.s32 $0x4200, s0;
	[dreg:$0xf] =	wrdreg s11  }
0xf: {  	s5 =	sshll.u32 s1, $0x1;
	s14 =	sadd.s32 $0x4600, s0;
	[dreg:$0x10] =	wrdreg s13  }
0x10: {  	s12 =	sshll.u32 s1, $0xD;
	s15 =	sadd.s32 $0x4A00, s0;
	[dreg:$0x11] =	wrdreg s14  }
0x11: {  	s16 =	sadd.s32 $0x4E00, s0;
	s17 =	sadd.s32 $0x5200, s0;
	[dreg:$0x12] =	wrdreg s15  }
0x12: {  	s19 =	sadd.s32 $0x1F5A00, s0;
	s5 =	sor.u32 s4, s5;
	[dreg:$0x13] =	wrdreg s16  }
0x13: {  	s4 =	ssub.s32 $0x2, s4;
	s20 =	sadd.s32 $0x1F5E00, s0;
	s22 =	sadd.s32 $0x1F6600, s0  }
0x14: {  	[dreg:$0x14] =	wrdreg s17;
	s23 =	sadd.s32 $0x1F6A00, s0;
	s24 =	sadd.s32 $0x1F6E00, s0  }
0x15: {  	[dreg:$0x16] =	wrdreg s19;
	s25 =	sadd.s32 $0x1F7200, s0;
	s9 =	sadd.s32 $0x1F7600, s0  }
0x16: {  	s26 =	sadd.s32 $0x1F7A00, s0;
	s6 =	sadd.s32 $0x1F8600, s0;
	[dreg:$0x17] =	wrdreg s20  }
0x17: {  	s8 =	sadd.s32 $0x1F8E00, s0;
	s13 =	simm.s32 $0x80;
	[dreg:$0x19] =	wrdreg s22  }
0x18: {  	s14 =	simm.s32 $0x880;
	s15 =	simm.s32 $0x1080;
	[dreg:$0x1a] =	wrdreg s23  }
0x19: {  	s16 =	simm.s32 $0x1880;
	s17 =	simm.s32 $0x2080;
	[dreg:$0x1e] =	wrdreg s26  }
0x1a: {  	s19 =	simm.s32 $0x3080;
	s7 =	sshll.u32 s5, $0x4;
	[dreg:$0x1b] =	wrdreg s24  }
0x1b: {  	s5 =	sshll.u32 s5, $0x5;
	s18 =	sshrl.u32 s4, $0x1;
	[dreg:$0x1c] =	wrdreg s25  }
0x1c: {  	[dreg:$0x1d] =	wrdreg s9;
	s9 =	sadd.s32 $0x1F9200, s0;
	s20 =	simm.s32 $0x3880  }
0x1d: {  	s22 =	simm.s32 $0x4880;
	s23 =	simm.s32 $0x5080;
	s24 =	simm.s32 $0x5880  }
0x1e: {  	s25 =	simm.s32 $0x6080;
	s26 =	simm.s32 $0x6880;
	s7 =	sadd.s32 s7, s0  }
0x1f: {  	s5 =	sor.u32 s12, s5;
	s11 =	ssub.s32 s4, s18;
	s4 =	sadd.s32 $0x1F7E00, s0  }
0x20: {  	s12 =	simm.s32 $0x2;
	s18 =	simm.s32 $0x2880;
	s21 =	sadd.s32 $0x3E9600, s7  }
0x21: {  	s7 =	sadd.s32 $0x2E00, s0;
	s5 =	sand.u32 $0x1C060, s5;
	[dreg:$0x5] =	wrdreg s21  }
0x22: {  	s11 =	smax.u32 s11, $0x1;
	[dreg:$0xb] =	wrdreg s7;
	s10 =	sadd.s32 s5, s0  }
0x23: {  	v0 =	vlaneseq.u32;
	s3 =	sadd.s32 s3, s5;
	s21 =	sadd.s32 $0x1F6200, s0;
	s5 =	sadd.s32 $0x1F8200, s0  }
0x24: {  	v1 =	vshrl.u32 v0, $0x1;
	s7 =	sadd.s32 $0x1F8A00, s0;
	s0 =	simm.s32 $0x400;
	[dreg:$0x15] =	wrdreg s3  }
0x25: {  	vm0 =	vmmov $0xffff;
	v0 =	vand.u32 $0x1, v0;
	v1 =	vmul.u32 $0x8, v1;
	[dreg:$0x18] =	wrdreg s21;
	s10 =	sadd.s32 $0x3E9800, s10;
	s21 =	simm.s32 $0x4080  }
.LBB2_1:
0x26: {  	s1 =	rddreg [dreg:$0x5]  }
0x27: {  	[tilespmem:s2], [sflag:$0x2] =	stream.linear.gather [hbm4b:s1+s2], $0x80, $0x38;
	[tilespmem:$0x8080] =	vst v63  }
0x28: {  	_ =	swait.ge [sflag:s12], $0x80  }
0x29: {  	[sflag:s12] =	ssyncset.done $0x0  }
0x2a: {  	[sflag:s12] =	ssyncadd.s32 $0xFFFFFF80  }
0x2b: {  	v2 =	vld.msk [tilespmem:$0x0], $0x3;
	_ =	sdelay $0x4  }
0x2c: {  	v3 =	vshll.u32 v2, $0x7  }
0x2d: {  	v2 =	vand.u32 $0x7, v2;
	v3 =	vand.u32 $0xFFFFFC00, v3  }
0x2e: {  	v2 =	vor.u32 v2, v3  }
0x2f: {  	v2 =	vperm.xlane v2, v0;
	_ =	sdelay $0x1  }
0x30: {  	v2 =	vadd.s32 v1, v2;
	_ =	sdelay $0x3  }
0x31: {  	s1 =	rddreg [dreg:$0x3]  }
0x32: {  	[tilespmem:s13], [sflag:$0x1] =	stream.indirect_vreg.gather [hbm4b:s1+s2], $0x80, v2, vm0, $0xb8;
	[tilespmem:$0x8080] =	vst v63  }
0x33: {  	s3 =	rddreg [dreg:$0x6]  }
0x34: {  	[tilespmem:s14], [sflag:$0x1] =	stream.indirect_vreg.gather [hbm4b:s3+s2], $0x80, v2, vm0, $0xb8;
	[tilespmem:$0x8080] =	vst v63  }
0x35: {  	s1 =	rddreg [dreg:$0x7]  }
0x36: {  	[tilespmem:s15], [sflag:$0x1] =	stream.indirect_vreg.gather [hbm4b:s1+s2], $0x80, v2, vm0, $0xb8;
	[tilespmem:$0x8080] =	vst v63  }
0x37: {  	s3 =	rddreg [dreg:$0x8]  }
0x38: {  	[tilespmem:s16], [sflag:$0x1] =	stream.indirect_vreg.gather [hbm4b:s3+s2], $0x80, v2, vm0, $0xb8;
	[tilespmem:$0x8080] =	vst v63  }
0x39: {  	s1 =	rddreg [dreg:$0x9]  }
0x3a: {  	[tilespmem:s17], [sflag:$0x1] =	stream.indirect_vreg.gather [hbm4b:s1+s2], $0x80, v2, vm0, $0xb8;
	[tilespmem:$0x8080] =	vst v63  }
0x3b: {  	s3 =	rddreg [dreg:$0xa]  }
0x3c: {  	[tilespmem:s18], [sflag:$0x1] =	stream.indirect_vreg.gather [hbm4b:s3+s2], $0x80, v2, vm0, $0xb8;
	[tilespmem:$0x8080] =	vst v63  }
0x3d: {  	s1 =	rddreg [dreg:$0xb]  }
0x3e: {  	[tilespmem:s19], [sflag:$0x1] =	stream.indirect_vreg.gather [hbm4b:s1+s2], $0x80, v2, vm0, $0xb8;
	[tilespmem:$0x8080] =	vst v63  }
0x3f: {  	s3 =	rddreg [dreg:$0xc]  }
0x40: {  	[tilespmem:s20], [sflag:$0x1] =	stream.indirect_vreg.gather [hbm4b:s3+s2], $0x80, v2, vm0, $0xb8;
	[tilespmem:$0x8080] =	vst v63  }
0x41: {  	s1 =	rddreg [dreg:$0xd]  }
0x42: {  	[tilespmem:s21], [sflag:$0x1] =	stream.indirect_vreg.gather [hbm4b:s1+s2], $0x80, v2, vm0, $0xb8;
	[tilespmem:$0x8080] =	vst v63  }
0x43: {  	s3 =	rddreg [dreg:$0xe]  }
0x44: {  	[tilespmem:s22], [sflag:$0x1] =	stream.indirect_vreg.gather [hbm4b:s3+s2], $0x80, v2, vm0, $0xb8;
	[tilespmem:$0x8080] =	vst v63  }
0x45: {  	s1 =	rddreg [dreg:$0xf]  }
0x46: {  	[tilespmem:s23], [sflag:$0x1] =	stream.indirect_vreg.gather [hbm4b:s1+s2], $0x80, v2, vm0, $0xb8;
	[tilespmem:$0x8080] =	vst v63  }
0x47: {  	s3 =	rddreg [dreg:$0x10]  }
0x48: {  	[tilespmem:s24], [sflag:$0x1] =	stream.indirect_vreg.gather [hbm4b:s3+s2], $0x80, v2, vm0, $0xb8;
	[tilespmem:$0x8080] =	vst v63  }
0x49: {  	s1 =	rddreg [dreg:$0x11]  }
0x4a: {  	[tilespmem:s25], [sflag:$0x1] =	stream.indirect_vreg.gather [hbm4b:s1+s2], $0x80, v2, vm0, $0xb8;
	[tilespmem:$0x8080] =	vst v63  }
0x4b: {  	s3 =	rddreg [dreg:$0x12]  }
0x4c: {  	[tilespmem:s26], [sflag:$0x1] =	stream.indirect_vreg.gather [hbm4b:s3+s2], $0x80, v2, vm0, $0xb8;
	[tilespmem:$0x8080] =	vst v63  }
0x4d: {  	s1 =	rddreg [dreg:$0x13]  }
0x4e: {  	[tilespmem:s28], [sflag:$0x1] =	stream.indirect_vreg.gather [hbm4b:s1+s2], $0x80, v2, vm0, $0xb8;
	[tilespmem:$0x8080] =	vst v63  }
0x4f: {  	s3 =	rddreg [dreg:$0x14]  }
0x50: {  	[tilespmem:s29], [sflag:$0x1] =	stream.indirect_vreg.gather [hbm4b:s3+s2], $0x80, v2, vm0, $0xb8;
	[tilespmem:$0x8080] =	vst v63  }
0x51: {  	_ =	swait.ge [sflag:s30], $0x8000  }
0x52: {  	[sflag:s30] =	ssyncset.done $0x0  }
0x53: {  	s3 =	rddreg [dreg:$0x15];
	[sflag:s30] =	ssyncadd.s32 $0xFFFF8000  }
0x54: {  	[hbm4b:s3+s31] =	stream.strided.scatter [tilespmem:s13], [sflag:$0x2], $0x8000, s0, s31, $0x38;
	[tilespmem:$0x8080] =	vst v63  }
0x55: {  	_ =	swait.ge [sflag:s12], $0x8000  }
0x56: {  	[sflag:s12] =	ssyncset.done $0x0  }
0x57: {  	[sflag:s12] =	ssyncadd.s32 $0xFFFF8000  }
0x58: {  	v2 =	vld.msk [tilespmem:$0x0], $0x3;
	_ =	sdelay $0x4  }
0x59: {  	v3 =	vshll.u32 v2, $0x7  }
0x5a: {  	v2 =	vand.u32 $0x7, v2;
	v3 =	vand.u32 $0xFFFFFC00, v3  }
0x5b: {  	v2 =	vor.u32 v2, v3  }
0x5c: {  	v2 =	vperm.xlane v2, v0;
	_ =	sdelay $0x1  }
0x5d: {  	v2 =	vadd.s32 v1, v2;
	_ =	sdelay $0x3  }
0x5e: {  	s1 =	rddreg [dreg:$0x4]  }
0x5f: {  	[tilespmem:s13], [sflag:$0x1] =	stream.indirect_vreg.gather [hbm4b:s1+s2], $0x80, v2, vm0, $0xb8;
	[tilespmem:$0x8080] =	vst v63  }
0x60: {  	s3 =	rddreg [dreg:$0x16]  }
0x61: {  	[tilespmem:s14], [sflag:$0x1] =	stream.indirect_vreg.gather [hbm4b:s3+s2], $0x80, v2, vm0, $0xb8;
	[tilespmem:$0x8080] =	vst v63  }
0x62: {  	s1 =	rddreg [dreg:$0x17]  }
0x63: {  	[tilespmem:s15], [sflag:$0x1] =	stream.indirect_vreg.gather [hbm4b:s1+s2], $0x80, v2, vm0, $0xb8;
	[tilespmem:$0x8080] =	vst v63  }
0x64: {  	s3 =	rddreg [dreg:$0x18]  }
0x65: {  	[tilespmem:s16], [sflag:$0x1] =	stream.indirect_vreg.gather [hbm4b:s3+s2], $0x80, v2, vm0, $0xb8;
	[tilespmem:$0x8080] =	vst v63  }
0x66: {  	s1 =	rddreg [dreg:$0x19]  }
0x67: {  	[tilespmem:s17], [sflag:$0x1] =	stream.indirect_vreg.gather [hbm4b:s1+s2], $0x80, v2, vm0, $0xb8;
	[tilespmem:$0x8080] =	vst v63  }
0x68: {  	s3 =	rddreg [dreg:$0x1a]  }
0x69: {  	[tilespmem:s18], [sflag:$0x1] =	stream.indirect_vreg.gather [hbm4b:s3+s2], $0x80, v2, vm0, $0xb8;
	[tilespmem:$0x8080] =	vst v63  }
0x6a: {  	s1 =	rddreg [dreg:$0x1b]  }
0x6b: {  	[tilespmem:s19], [sflag:$0x1] =	stream.indirect_vreg.gather [hbm4b:s1+s2], $0x80, v2, vm0, $0xb8;
	[tilespmem:$0x8080] =	vst v63  }
0x6c: {  	s3 =	rddreg [dreg:$0x1c]  }
0x6d: {  	[tilespmem:s20], [sflag:$0x1] =	stream.indirect_vreg.gather [hbm4b:s3+s2], $0x80, v2, vm0, $0xb8;
	[tilespmem:$0x8080] =	vst v63  }
0x6e: {  	s1 =	rddreg [dreg:$0x1d]  }
0x6f: {  	[tilespmem:s21], [sflag:$0x1] =	stream.indirect_vreg.gather [hbm4b:s1+s2], $0x80, v2, vm0, $0xb8;
	[tilespmem:$0x8080] =	vst v63  }
0x70: {  	s3 =	rddreg [dreg:$0x1e]  }
0x71: {  	[tilespmem:s22], [sflag:$0x1] =	stream.indirect_vreg.gather [hbm4b:s3+s2], $0x80, v2, vm0, $0xb8;
	[tilespmem:$0x8080] =	vst v63  }
0x72: {  	_ = 	snop  }
0x73: {  	[tilespmem:s23], [sflag:$0x1] =	stream.indirect_vreg.gather [hbm4b:s4+s2], $0x80, v2, vm0, $0xb8;
	[tilespmem:$0x8080] =	vst v63  }
0x74: {  	_ = 	snop  }
0x75: {  	[tilespmem:s24], [sflag:$0x1] =	stream.indirect_vreg.gather [hbm4b:s5+s2], $0x80, v2, vm0, $0xb8;
	[tilespmem:$0x8080] =	vst v63  }
0x76: {  	_ = 	snop  }
0x77: {  	[tilespmem:s25], [sflag:$0x1] =	stream.indirect_vreg.gather [hbm4b:s6+s2], $0x80, v2, vm0, $0xb8;
	[tilespmem:$0x8080] =	vst v63  }
0x78: {  	_ = 	snop  }
0x79: {  	[tilespmem:s26], [sflag:$0x1] =	stream.indirect_vreg.gather [hbm4b:s7+s2], $0x80, v2, vm0, $0xb8;
	[tilespmem:$0x8080] =	vst v63  }
0x7a: {  	_ = 	snop  }
0x7b: {  	[tilespmem:s28], [sflag:$0x1] =	stream.indirect_vreg.gather [hbm4b:s8+s2], $0x80, v2, vm0, $0xb8;
	[tilespmem:$0x8080] =	vst v63  }
0x7c: {  	_ = 	snop  }
0x7d: {  	[tilespmem:s29], [sflag:$0x1] =	stream.indirect_vreg.gather [hbm4b:s9+s2], $0x80, v2, vm0, $0xb8;
	[tilespmem:$0x8080] =	vst v63  }
0x7e: {  	_ =	swait.ge [sflag:s30], $0x8000  }
0x7f: {  	p0 =	sne.s32 s11, $0x1;
	[sflag:s30] =	ssyncset.done $0x0  }
.Ltmp0:
0x80: {  	[sflag:s30] =	ssyncadd.s32 $0xFFFF8000;
	(pc) =	sbr.rel @p0 .LBB2_1-.Ltmp0, $4  }
0x81: {  	[hbm4b:s10+s31] =	stream.strided.scatter [tilespmem:s13], [sflag:$0x2], $0x8000, s0, s31, $0x38;
	[tilespmem:$0x8080] =	vst v63  }
0x82: {  	_ =	swait.ge [sflag:s12], $0x8000  }
0x83: {  	[sflag:s12] =	ssyncset.done $0x0  }
0x84: {  	s11 =	sadd.s32 $0xFFFFFFFF, s11;
	[sflag:s12] =	ssyncadd.s32 $0xFFFF8000  }
0x85: {  	_ =	sfence.sel $0x180000  }
0x86: {  	[bflag:$0x0] =	sbarrier.arrive $0xFFFF  }
0x87: {  	_ =	strace $0x9000004D  }
0x88: {  	s0 =	stileid.u32;
	[bflag:$0x2] =	sbarrier.arrive $0xFFFF  }
0x89: {  	p0 =	sne.s32 s0, $0x0;
	s0 =	rddreg [dreg:$0x2]  }
0x8a: {  	s0 =	sadd.s32 @!p0 $0x100000, s0  }
0x8b: {  	[sflag:s0] =	ssyncadd.tile.s32 @!p0 $0x1;
	_ =	shalt  }
.Lfunc_end2:
_tile_overlayer_lowered:
.L_overlay_start_2:
0x8c: {  	(tag) =	ssettag $0x2  }
0x8d: {  	s0 =	rddreg [dreg:$0x0];
	s2 =	stileid.u32  }
0x8e: {  	s1 =	rddreg [dreg:$0x1];
	p0 =	sne.s32 s2, $0x0  }
0x8f: {  	s3 =	rddreg [dreg:$0x2];
	[bflag:$0x3] =	sbarrier.arrive $0xFFFF;
	s2 =	simm.s32 @!p0 $0x1C02  }
0x90: {  	[timem:s3], [sflag:s2] =	dma.local @!p0 [hbm:s0], s1  }
0x91: {  	s0 =	simm.s32 @!p0 $0x2  }
0x92: {  	_ =	swait.ge @!p0 [sflag:s0], s1  }
0x93: {  	s1 =	ssub.s32 @!p0 $0x0, s1;
	[sflag:s0] =	ssyncset.done @!p0 $0x0  }
0x94: {  	[sflag:s0] =	ssyncadd.s32 @!p0 s1  }
0x95: {  	[bflag:$0x3] =	sbarrier.arrive $0xFFFF  }
0x96: {  	_ =	shalt  }

// kernel: sparse-core-data-format-call.1.cloned.1.call-start
scs
called_computation.1_lowered:
.L_overlay_start_0:
0x0: {  	s2 =	sld [smem:$0x3FD9]  }
0x1: {  	s3 =	sld [smem:$0x3FFE];
	_ =	sdelay $0x1  }
0x2: {  	s1 =	srdreg.scid  }
0x3: {  	s0 =	sand.u32 $0x1, s1  }
0x4: {  	s18 =	sshll.u32 s0, $0xA;
	s2 =	sadd.s32 s3, s2  }
0x5: {  	s2 =	sadd.s32 s2, s18  }
0x6: {  	[smem:$0x3FC3] =	sst s2  }
0x7: {  	_ = 	snop  }
0x8: {  	s2 =	sld [smem:$0x3FC7];
	(tm) =	ssettm $0x1  }
0x9: {  	s19 =	sld [smem:$0x3FFB];
	_ =	sdelay $0x3  }
0xa: {  	_ =	strace s19  }
0xb: {  	s3 =	sld [smem:$0x3FFC];
	_ =	sdelay $0x3  }
0xc: {  	_ =	strace s3  }
0xd: {  	s3 =	sld [smem:$0x3FFD];
	_ =	sdelay $0x3  }
0xe: {  	_ =	strace s3  }
0xf: {  	_ =	strace $0x8FFFFFFF  }
0x10: {  	s20 =	sld [smem:$0x3FDB];
	_ =	sdelay $0x1  }
0x11: {  	s4 =	simm.s32 $_scs_section_size  }
0x12: {  	s5 =	simm.s32 $_size__tile_overlayer_lowered;
	s6 =	simm.s32 $_tile_overlayer_lowered  }
0x13: {  	s23 =	simm.s32 $0x1BFF;
	s22 =	sshll.u32 s6, $0x1;
	s3 =	sadd.s32 s4, s20  }
0x14: {  	s7 =	simm.s32 $0x0;
	s21 =	sshll.u32 s5, $0x1;
	s5 =	sadd.s32 s22, s3  }
0x15: {  	[timem:s7], [sflag:s23] =	dma.local [hbm:s5], s21  }
0x16: {  	_ =	swait.ge [sflag:s23], s21  }
0x17: {  	s4 =	ssub.s32 $0x0, s21;
	[sflag:s23] =	ssyncset.done $0x0  }
0x18: {  	[sflag:s23] =	ssyncadd.s32 s4;
	_ =	sdelay $0x1  }
0x19: {  	s24 =	simm.s32 $0x1B8B  }
0x1a: {  	_ =	swait.ge [sflag:s24], $0x1  }
0x1b: {  	[sflag:s24] =	ssyncset.done $0x0  }
0x1c: {  	s26 =	simm.s32 $0x1B8E;
	s25 =	sld [smem:$0x3FFE];
	[sflag:s24] =	ssyncadd.s32 $0xFFFFFFFF  }
0x1d: {  	s27 =	simm.s32 $execute0_lowered;
	[smem:$0x3FD2] =	sst s26  }
0x1e: {  	s5 =	sshll.u32 s27, $0x1;
	_ =	strace $0x80000046;
	[dreg:$0x1] =	wrdreg $0xFFFFFFFF  }
0x1f: {  	s28 =	simm.s32 $_size_execute0_lowered;
	s3 =	sadd.s32 s3, s5;
	[dreg:$0x0] =	wrdreg $0x0  }
0x20: {  	s5 =	sshll.u32 s28, $0x1;
	[dreg:$0x2] =	wrdreg s3  }
0x21: {  	[dreg:$0x3] =	wrdreg s5  }
0x22: {  	[dreg:$0x4] =	wrdreg $0xC0  }
0x23: {  	_ =	task [dreg:s7], $0x5FFFF  }
0x24: {  	[dreg:$0x1] =	wrdreg $0xFFFFFFFF  }
0x25: {  	[dreg:$0x0] =	wrdreg $0x60  }
0x26: {  	[dreg:$0x2] =	wrdreg s2  }
0x27: {  	[dreg:$0x3] =	wrdreg s25  }
0x28: {  	[dreg:$0x4] =	wrdreg $0xA  }
0x29: {  	_ =	task.clear_ibuf [dreg:s7], $0x5FFFF;
	_ =	strace $0x90000046  }
0x2a: {  	s29 =	simm.s32 $0xA;
	_ =	strace $0x80000048  }
0x2b: {  	_ =	swait.ge [sflag:s29], $0x1  }
0x2c: {  	[sflag:s29] =	ssyncadd.s32 $0xFFFFFFFF  }
0x2d: {  	_ =	strace $0x90000048  }
0x2e: {  	_ =	sfence  }
0x2f: {  	s30 =	sld [smem:$0x0];
	_ =	sdelay $0x2  }
0x30: {  	s31 =	sshll.u32 s1, $0xD;
	s1 =	sshrl.u32 s1, $0x2  }
0x31: {  	s3 =	sand.u32 $0x4000, s31;
	s1 =	sadd.s32 s1, s30  }
0x32: {  	s0 =	sor.u32 s3, s0;
	s1 =	sshll.u32 s1, $0x11  }
0x33: {  	s0 =	sor.u32 s1, s0  }
0x34: {  	s0 =	sadd.s32 $0x8F2B, s0  }
0x35: {  	[sflag:s0] =	ssyncadd.remote.s32 $0x1  }
0x36: {  	_ =	sfence.sel $0xFFFF  }
0x37: {  	[dreg:$0x0] =	wrdreg $0xFFFFFFFF;
	(pc) =	sbr.abs _section_cstart, $3  }
0x38: {  	[dreg:$0x1] =	wrdreg $0xFFFFFFFF  }
0x39: {  	_ =	task.clear_ibuf [dreg:s7], $0x2FFFF;
	_ =	strace $0x9FFFFFFF  }
0x3a: {  	(tm) =	ssettm $0x7FFFFFFF  }
0x3b: {  	_ =	shalt  }
tec
execute0_lowered:
.L_overlay_start_1:
0x0: {  	(tag) =	ssettag $0x1  }
0x1: {  	s8 =	rddreg [dreg:$0x0]  }
0x2: {  	s6 =	rddreg [dreg:$0x1]  }
0x3: {  	s1 =	stileid.u32;
	s2 =	srdreg.scid  }
0x4: {  	s0 =	rddreg [dreg:$0x2];
	_ =	strace $0x80000047;
	s30 =	simm.s32 $0x2  }
0x5: {  	s15 =	simm.s32 $0x0;
	s17 =	simm.s32 $0x0;
	s16 =	simm.s32 $0x0  }
0x6: {  	s14 =	simm.s32 $0x0;
	s23 =	simm.s32 $0x0;
	s3 =	sshll.u32 s1, $0x5  }
0x7: {  	s2 =	sshll.u32 s2, $0x9;
	s4 =	sshll.u32 s1, $0x1;
	s6 =	sadd.s32 $0x1600, s6  }
0x8: {  	s31 =	sshll.u32 s1, $0x8;
	s5 =	sor.u32 s3, s2;
	s3 =	sand.u32 $0x8, s4  }
0x9: {  	s2 =	sand.u32 $0x3, s1;
	s4 =	sand.u32 $0x300, s5;
	s9 =	ssub.s32 $0x10, s3  }
0xa: {  	s5 =	simm.s32 $0x1;
	s7 =	ssub.s32 $0x80, s2;
	s10 =	sshrl.u32 s9, $0x3  }
0xb: {  	s11 =	ssub.s32 $0x400, s4;
	s9 =	sshrl.u32 s9, $0x4;
	s10 =	sand.u32 $0x1, s10  }
0xc: {  	s7 =	sshrl.u32 s7, $0x2;
	s12 =	sand.u32 $0x300, s11;
	s9 =	sadd.s32 s9, s10  }
0xd: {  	p0 =	sne.s32 s12, $0x0;
	s10 =	simm.s32 $0x1;
	s7 =	smul.u32 s7, s9  }
.Ltmp0:
0xe: {  	s11 =	sshrl.u32 s11, $0xA;
	s10 =	simm.s32 @!p0 $0x0;
	(pc) =	sbr.rel .LBB1_1-.Ltmp0, $4  }
0xf: {  	s13 =	smov.u32 s2;
	[sflag:s5] =	ssyncpa.u1 $0x0;
	s29 =	sadd.s32 s10, s11  }
0x10: {  	s8 =	sadd.s32 s4, s8;
	s9 =	sand.u32 $0x400, s31;
	s7 =	smul.u32 s29, s7  }
0x11: {  	[sflag:s30] =	ssyncpa.u1 $0x0;
	s12 =	simm.s32 $0x0;
	s8 =	sadd.s32 s8, s9  }
0x12: {  	s10 =	simm.s32 $0x800;
	s11 =	simm.s32 $0x2000;
	s9 =	sadd.s32 $0x1, s7  }
.LBB1_7:
0x13: {  	s18 =	sadd.s32 $0x4, s13  }
0x14: {  	p1 =	sgt.s32 s18, $0x7C  }
0x15: {  	s18 =	smov.u32 @p1 s2;
	p1 =	sne.s32 s14, s9  }
.Ltmp1:
0x16: {  	p0 =	slt.u32 s14, $0x2;
	(pc) =	sbr.rel @!p1 .LBB1_8-.Ltmp1, $4  }
0x17: {  	s19 =	sadd.s32 $0x1, s14;
	s15 =	simm.s32 @!p0 $0x2  }
0x18: {  	s16 =	smov.u32 s13;
	s12 =	sadd.s32 $0x4000, s12;
	_ =	swait.ge @!p0 [sflag:s15], $0x4000  }
0x19: {  	s17 =	smov.u32 s3;
	s14 =	smov.u32 s19;
	[sflag:s15] =	ssyncset.done @!p0 $0x0  }
0x1a: {  	s13 =	smov.u32 s18;
	[sflag:s15] =	ssyncadd.s32 @!p0 $0xFFFFC000;
	s15 =	smov.u32 s4  }
.LBB1_1:
0x1b: {  	p0 =	sge.u32 s14, s7  }
0x1c: {  	s31 =	sadd.s32 $0xFFFFFFFF, s14;
	s18 =	sxor.u32 @!p0 $0xFFFFFFFF, s14  }
0x1d: {  	s19 =	sshll.u32 @!p0 s13, $0xE;
	s20 =	simm.s32 @!p0 $0x800;
	s18 =	sshll.u32 @!p0 s18, $0xE  }
0x1e: {  	s21 =	simm.s32 @!p0 $0x4000;
	s19 =	sadd.s32 @!p0 s19, s8;
	s18 =	sand.u32 @!p0 $0x4000, s18  }
0x1f: {  	[tilespmem:s18], [sflag:$0x1] =	stream.strided.gather @!p0 [hbm4b:s19+s20], $0x4000, s21, s20, $0x38;
	[tilespmem:$0x10000] =	vst v63  }
0x20: {  	p0 =	sge.u32 s31, s7  }
.Ltmp2:
0x21: {  	_ = 	snop;
	(pc) =	sbr.rel @p0 .LBB1_7-.Ltmp2, $1  }
0x22: {  	_ =	sdelay $0x3  }
0x23: {  	s18 =	sshll.u32 s12, $0x2;
	_ =	swait.ge [sflag:s5], $0x4000;
	s31 =	sshll.u32 s14, $0xE  }
0x24: {  	p0 =	por $0x0, $0x0;
	s24 =	simm.s32 $0x0;
	s25 =	simm.s32 $0x0  }
0x25: {  	s18 =	sand.u32 $0x10000, s18;
	[sflag:s5] =	ssyncset.done $0x0;
	s21 =	sand.u32 $0x4000, s31  }
0x26: {  	s22 =	sshrl.u32 s18, $0x2;
	[sflag:s5] =	ssyncadd.s32 $0xFFFFC000;
	s18 =	sor.u32 $0x8000, s21  }
0x27: {  	s19 =	sor.u32 $0x40, s22;
	s20 =	sor.u32 $0x8410, s22;
	s22 =	sadd.s32 $0x8400, s22  }
.LBB1_3:
0x28: {  	v1 =	vld [tilespmem:s19+$0xFFFFFFD0]  }
0x29: {  	v2 =	vld [tilespmem:s19+$0x430]  }
0x2a: {  	s26 =	sshll.u32 s25, $0xB;
	v4 =	vld [tilespmem:s19+$0xFFFFFFE0]  }
0x2b: {  	v7 =	vld [tilespmem:s19+$0xFFFFFFF0];
	v0 =	vmov s26  }
0x2c: {  	v8 =	vld [tilespmem:s19+$0x0]  }
0x2d: {  	v9 =	vld [tilespmem:s19+$0x10];
	s26 =	sand.u32 $0x300, s23  }
0x2e: {  	s27 =	sand.u32 $0x80, s23;
	v10 =	vld [tilespmem:s19+$0x20];
	s26 =	sadd.s32 s26, s21  }
0x2f: {  	v11 =	vld [tilespmem:s19+$0x30];
	s26 =	sadd.s32 s27, s26;
	s27 =	simm.s32 $0x1;
	[tilespmem:s20+$0x60] =	vst v2  }
0x30: {  	s27 =	simm.s32 @!p0 $0x0;
	[tilespmem:s20+$0xFFFFFC00] =	vst v1;
	v3 =	vld.idx.msk [tilespmem:v0+s26+$0x400 ss:$0x1], $0xffff;
	s26 =	sshll.u32 s24, $0x2  }
0x31: {  	v6 =	vld [tilespmem:s19+$0x3D0];
	s27 =	sshll.u32 s27, $0x9;
	[tilespmem:s20+$0xFFFFFC10] =	vst v4;
	s26 =	sand.u32 $0xFFFFFC00, s26  }
0x32: {  	v5 =	vld [tilespmem:s19+$0x3E0];
	[tilespmem:s20+$0xFFFFFC20] =	vst v7;
	s26 =	sor.u32 s27, s26  }
0x33: {  	[tilespmem:s20+$0xFFFFFC30] =	vst v8;
	v4 =	vld [tilespmem:s19+$0x400];
	s26 =	sshrl.u32 s26, $0x2  }
0x34: {  	[tilespmem:s20+$0xFFFFFC40] =	vst v9;
	v1 =	vld [tilespmem:s19+$0x410];
	s26 =	sadd.s32 s26, s22  }
0x35: {  	[tilespmem:s26+$0x0] =	vst v3;
	v3 =	vld [tilespmem:s19+$0x3F0]  }
0x36: {  	s30 =	simm.s32 $0x80;
	s29 =	simm.s32 $0x100;
	[tilespmem:s20+$0xFFFFFC50] =	vst v10;
	v2 =	vld [tilespmem:s19+$0x420]  }
0x37: {  	s28 =	smov.u32 s20;
	s31 =	sand.u32 $0x300, s30;
	v7 =	vld [tilespmem:s19+$0xFFFFFFC0];
	[tilespmem:s20+$0xFFFFFC60] =	vst v11;
	s27 =	sadd.s32 $0x80, s19  }
.LBB1_4:
0x38: {  	p1 =	sne.s32 s29, $0x380;
	v8 =	vld [tilespmem:s27+$0xFFFFFFD0];
	s30 =	sand.u32 $0x80, s30;
	s31 =	sadd.s32 s31, s21;
	[tilespmem:s28+$0x0] =	vst v6  }
0x39: {  	s31 =	sadd.s32 s30, s31;
	v6 =	vld [tilespmem:s27+$0x430];
	[tilespmem:s28+$0x10] =	vst v5;
	s30 =	smov.u32 s29  }
0x3a: {  	v5 =	vld.idx.msk [tilespmem:v0+s31+$0x400 ss:$0x1], $0xffff;
	[tilespmem:s28+$0x20] =	vst v3  }
0x3b: {  	v3 =	vld [tilespmem:s27+$0xFFFFFFE0];
	[tilespmem:s28+$0x30] =	vst v4  }
0x3c: {  	v4 =	vld [tilespmem:s27+$0xFFFFFFF0];
	[tilespmem:s28+$0xFFFFFBF0] =	vst v7  }
0x3d: {  	v7 =	vld [tilespmem:s27+$0x0];
	[tilespmem:s28+$0x40] =	vst v1  }
0x3e: {  	v1 =	vld [tilespmem:s27+$0x10];
	[tilespmem:s28+$0x50] =	vst v2;
	s28 =	sadd.s32 $0x800, s28  }
0x3f: {  	s26 =	sadd.s32 $0x800, s26;
	v2 =	vld [tilespmem:s27+$0x20];
	[tilespmem:s28+$0x60] =	vst v6  }
0x40: {  	v9 =	vld [tilespmem:s27+$0x30];
	[tilespmem:s26+$0x0] =	vst v5  }
0x41: {  	[tilespmem:s28+$0xFFFFFC00] =	vst v8;
	v6 =	vld [tilespmem:s27+$0x3D0]  }
0x42: {  	[tilespmem:s28+$0xFFFFFC10] =	vst v3;
	v5 =	vld [tilespmem:s27+$0x3E0]  }
.Ltmp3:
0x43: {  	[tilespmem:s28+$0xFFFFFC20] =	vst v4;
	v3 =	vld [tilespmem:s27+$0x3F0];
	(pc) =	sbr.rel @p1 .LBB1_4-.Ltmp3, $4  }
0x44: {  	[tilespmem:s28+$0xFFFFFC30] =	vst v7;
	v4 =	vld [tilespmem:s27+$0x400]  }
0x45: {  	[tilespmem:s28+$0xFFFFFC40] =	vst v1;
	v1 =	vld [tilespmem:s27+$0x410]  }
0x46: {  	[tilespmem:s28+$0xFFFFFC50] =	vst v2;
	v2 =	vld [tilespmem:s27+$0x420]  }
0x47: {  	s29 =	sadd.s32 $0x80, s29;
	s31 =	sand.u32 $0x300, s30;
	v7 =	vld [tilespmem:s27+$0xFFFFFFC0];
	[tilespmem:s28+$0xFFFFFC60] =	vst v9;
	s27 =	sadd.s32 $0x80, s27  }
0x48: {  	[tilespmem:s28+$0x0] =	vst v6  }
0x49: {  	[tilespmem:s28+$0x10] =	vst v5  }
0x4a: {  	v49 =	vld [tilespmem:s27+$0x430];
	[tilespmem:s28+$0x20] =	vst v3  }
0x4b: {  	v50 =	vld [tilespmem:s27+$0xFFFFFFD0];
	[tilespmem:s28+$0x30] =	vst v4  }
0x4c: {  	v51 =	vld [tilespmem:s27+$0xFFFFFFE0];
	[tilespmem:s28+$0x40] =	vst v1  }
0x4d: {  	s29 =	sand.u32 $0x80, s30;
	s31 =	sadd.s32 s31, s21;
	v52 =	vld [tilespmem:s27+$0xFFFFFFF0];
	[tilespmem:s28+$0x50] =	vst v2  }
0x4e: {  	v53 =	vld [tilespmem:s27+$0x0];
	s29 =	sadd.s32 s29, s31;
	s31 =	sadd.s32 $0x800, s28;
	[tilespmem:s28+$0xFFFFFBF0] =	vst v7  }
0x4f: {  	v54 =	vld [tilespmem:s27+$0x10];
	[tilespmem:s31+$0x60] =	vst v49  }
0x50: {  	v55 =	vld [tilespmem:s27+$0x20];
	[tilespmem:s31+$0xFFFFFC00] =	vst v50  }
0x51: {  	v56 =	vld [tilespmem:s27+$0x30];
	[tilespmem:s31+$0xFFFFFC10] =	vst v51  }
0x52: {  	v57 =	vld [tilespmem:s27+$0x3D0];
	[tilespmem:s31+$0xFFFFFC20] =	vst v52  }
0x53: {  	v58 =	vld [tilespmem:s27+$0x3E0];
	[tilespmem:s31+$0xFFFFFC30] =	vst v53  }
0x54: {  	v59 =	vld [tilespmem:s27+$0x3F0];
	[tilespmem:s31+$0xFFFFFC40] =	vst v54  }
0x55: {  	v60 =	vld [tilespmem:s27+$0x400];
	[tilespmem:s31+$0xFFFFFC50] =	vst v55  }
0x56: {  	v61 =	vld [tilespmem:s27+$0xFFFFFFC0];
	[tilespmem:s31+$0xFFFFFC60] =	vst v56  }
0x57: {  	v62 =	vld [tilespmem:s27+$0x410];
	[tilespmem:s31+$0x0] =	vst v57  }
0x58: {  	v63 =	vld [tilespmem:s27+$0x420];
	s25 =	sadd.s32 $0x1, s25;
	[tilespmem:s31+$0x10] =	vst v58  }
0x59: {  	p1 =	sne.s32 s25, $0x8;
	v0 =	vld.idx.msk [tilespmem:v0+s29+$0x400 ss:$0x1], $0xffff;
	[tilespmem:s31+$0x20] =	vst v59  }
.Ltmp4:
0x5a: {  	[tilespmem:s31+$0x30] =	vst v60;
	(pc) =	sbr.rel @p1 .LBB1_3-.Ltmp4, $4  }
0x5b: {  	[tilespmem:s31+$0xFFFFFBF0] =	vst v61  }
0x5c: {  	[tilespmem:s31+$0x40] =	vst v62  }
0x5d: {  	s26 =	sadd.s32 $0x800, s26;
	s19 =	sadd.s32 $0x800, s19;
	[tilespmem:s31+$0x50] =	vst v63  }
0x5e: {  	s24 =	sadd.s32 $0x80, s24;
	p0 =	por !p0, !p0;
	s20 =	sadd.s32 $0x80, s20;
	[tilespmem:s26+$0x0] =	vst v0  }
.Ltmp5:
0x5f: {  	s16 =	sshll.u32 s16, $0xE;
	(pc) =	sbr.rel .LBB1_7-.Ltmp5, $4  }
0x60: {  	s17 =	sshll.u32 s17, $0xA;
	s16 =	sadd.s32 s6, s16  }
0x61: {  	s16 =	sadd.s32 s17, s16  }
0x62: {  	s15 =	sadd.s32 s15, s16  }
0x63: {  	[hbm4b:s15+s10] =	stream.strided.scatter [tilespmem:s18], [sflag:$0x2], $0x4000, s11, s10, $0x38;
	[tilespmem:$0x10000] =	vst v63  }
.LBB1_8:
0x64: {  	_ =	sfence.sel $0x180000  }
0x65: {  	s2 =	simm.s32 $0x1;
	[bflag:$0x0] =	sbarrier.arrive $0xFFFF  }
0x66: {  	s31 =	simm.s32 $0x2;
	[sflag:s2] =	ssyncpa.u1 $0x1  }
0x67: {  	[sflag:s31] =	ssyncpa.u1 $0x1  }
0x68: {  	p0 =	sne.s32 s1, $0x0;
	_ =	strace $0x90000047  }
0x69: {  	s0 =	sadd.s32 @!p0 $0x100000, s0;
	[bflag:$0x2] =	sbarrier.arrive $0xFFFF  }
0x6a: {  	[sflag:s0] =	ssyncadd.tile.s32 @!p0 $0x1;
	_ =	shalt  }
.Lfunc_end1:
_tile_overlayer_lowered:
.L_overlay_start_2:
0x6b: {  	(tag) =	ssettag $0x2  }
0x6c: {  	s0 =	rddreg [dreg:$0x0];
	s2 =	stileid.u32  }
0x6d: {  	s1 =	rddreg [dreg:$0x1];
	p0 =	sne.s32 s2, $0x0  }
0x6e: {  	s3 =	rddreg [dreg:$0x2];
	[bflag:$0x3] =	sbarrier.arrive $0xFFFF;
	s2 =	simm.s32 @!p0 $0x1C01  }
0x6f: {  	[timem:s3], [sflag:s2] =	dma.local @!p0 [hbm:s0], s1  }
0x70: {  	s0 =	simm.s32 @!p0 $0x1  }
0x71: {  	_ =	swait.ge @!p0 [sflag:s0], s1  }
0x72: {  	s1 =	ssub.s32 @!p0 $0x0, s1;
	[sflag:s0] =	ssyncset.done @!p0 $0x0  }
0x73: {  	[sflag:s0] =	ssyncadd.s32 @!p0 s1  }
0x74: {  	[bflag:$0x3] =	sbarrier.arrive $0xFFFF  }
0x75: {  	_ =	shalt  }

// kernel: sparse-core-data-format-call.cloned.1.call-start
scs
called_computation_lowered:
.L_overlay_start_0:
0x0: {  	s2 =	sld [smem:$0x3FD9]  }
0x1: {  	s3 =	sld [smem:$0x3FFE];
	_ =	sdelay $0x1  }
0x2: {  	s1 =	srdreg.scid  }
0x3: {  	s0 =	sand.u32 $0x1, s1  }
0x4: {  	s18 =	sshll.u32 s0, $0xA;
	s2 =	sadd.s32 s3, s2  }
0x5: {  	s2 =	sadd.s32 s2, s18  }
0x6: {  	[smem:$0x3FC3] =	sst s2  }
0x7: {  	_ = 	snop  }
0x8: {  	s19 =	sld [smem:$0x3FC6];
	(tm) =	ssettm $0x1  }
0x9: {  	s20 =	sld [smem:$0x3FFB];
	_ =	sdelay $0x3  }
0xa: {  	_ =	strace s20  }
0xb: {  	s2 =	sld [smem:$0x3FFC];
	_ =	sdelay $0x3  }
0xc: {  	_ =	strace s2  }
0xd: {  	s2 =	sld [smem:$0x3FFD];
	_ =	sdelay $0x3  }
0xe: {  	_ =	strace s2  }
0xf: {  	_ =	strace $0x8FFFFFFF  }
0x10: {  	s21 =	sld [smem:$0x3FDB];
	_ =	sdelay $0x1  }
0x11: {  	s4 =	simm.s32 $_scs_section_size  }
0x12: {  	s5 =	simm.s32 $_size__tile_overlayer_lowered;
	s6 =	simm.s32 $_tile_overlayer_lowered  }
0x13: {  	s7 =	simm.s32 $0x1BFF;
	s22 =	sshll.u32 s6, $0x1;
	s4 =	sadd.s32 s4, s21  }
0x14: {  	s23 =	simm.s32 $0x0;
	s5 =	sshll.u32 s5, $0x1;
	s6 =	sadd.s32 s22, s4  }
0x15: {  	[timem:s23], [sflag:s7] =	dma.local [hbm:s6], s5  }
0x16: {  	_ =	swait.ge [sflag:s7], s5  }
0x17: {  	s5 =	ssub.s32 $0x0, s5;
	[sflag:s7] =	ssyncset.done $0x0  }
0x18: {  	[sflag:s7] =	ssyncadd.s32 s5;
	_ =	sdelay $0x1  }
0x19: {  	s24 =	simm.s32 $0x1B8B  }
0x1a: {  	_ =	swait.ge [sflag:s24], $0x1  }
0x1b: {  	[sflag:s24] =	ssyncset.done $0x0  }
0x1c: {  	[sflag:s24] =	ssyncadd.s32 $0xFFFFFFFF  }
0x1d: {  	s5 =	sld [smem:$0x0]  }
0x1e: {  	s6 =	sand.u32 $0xFFFFFFFE, s1  }
0x1f: {  	p0 =	sne.s32 s1, s6  }
0x20: {  	s6 =	sshll.u32 @p0 s6, $0xE  }
0x21: {  	s6 =	sadd.s32 @p0 $0x11B8D, s6;
	s7 =	sshll.u32 @p0 s5, $0x11  }
0x22: {  	s6 =	sor.u32 @p0 s7, s6  }
0x23: {  	[sflag:s6] =	ssyncadd.remote.s32 @p0 $0x1;
	_ =	sdelay $0x1  }
0x24: {  	s6 =	simm.s32 @p0 $0x1B8D  }
0x25: {  	_ =	swait.eq @p0 [sflag:s6], $0x1  }
0x26: {  	[sflag:s6] =	ssyncadd.s32 @p0 $0xFFFFFFFF  }
0x27: {  	s7 =	sshll.u32 @!p0 s1, $0xE  }
0x28: {  	s7 =	sor.u32 @!p0 $0x4000, s7;
	s6 =	simm.s32 @!p0 $0x1B8D  }
0x29: {  	s5 =	sshll.u32 @!p0 s5, $0x11;
	s7 =	sadd.s32 @!p0 $0x11B8D, s7;
	_ =	swait.eq @!p0 [sflag:s6], $0x1  }
0x2a: {  	s5 =	sor.u32 @!p0 s5, s7;
	[sflag:s6] =	ssyncadd.s32 @!p0 $0xFFFFFFFF  }
0x2b: {  	s26 =	simm.s32 $0x1B8E;
	s25 =	sld [smem:$0x3FFE];
	[sflag:s5] =	ssyncadd.remote.s32 @!p0 $0x1  }
0x2c: {  	s27 =	simm.s32 $execute0_lowered;
	[smem:$0x3FD2] =	sst s26  }
0x2d: {  	s6 =	sshll.u32 s27, $0x1;
	_ =	strace $0x80000049;
	[dreg:$0x1] =	wrdreg $0xFFFFFFFF  }
0x2e: {  	s28 =	simm.s32 $_size_execute0_lowered;
	s4 =	sadd.s32 s4, s6;
	[dreg:$0x0] =	wrdreg $0x0  }
0x2f: {  	s6 =	sshll.u32 s28, $0x1;
	[dreg:$0x2] =	wrdreg s4  }
0x30: {  	[dreg:$0x3] =	wrdreg s6  }
0x31: {  	[dreg:$0x4] =	wrdreg $0xC0  }
0x32: {  	_ =	task [dreg:s23], $0x5FFFF  }
0x33: {  	[dreg:$0x1] =	wrdreg $0xFFFFFFFF  }
0x34: {  	[dreg:$0x0] =	wrdreg $0x60  }
0x35: {  	[dreg:$0x2] =	wrdreg s19  }
0x36: {  	[dreg:$0x3] =	wrdreg s25  }
0x37: {  	[dreg:$0x4] =	wrdreg $0x9  }
0x38: {  	_ =	task.clear_ibuf [dreg:s23], $0x5FFFF;
	_ =	strace $0x90000049  }
0x39: {  	s29 =	simm.s32 $0x9;
	_ =	strace $0x8000004B  }
0x3a: {  	_ =	swait.ge [sflag:s29], $0x1  }
0x3b: {  	[sflag:s29] =	ssyncadd.s32 $0xFFFFFFFF  }
0x3c: {  	_ =	strace $0x9000004B  }
0x3d: {  	_ =	sfence  }
0x3e: {  	s30 =	sld [smem:$0x0];
	_ =	sdelay $0x2  }
0x3f: {  	s31 =	sshll.u32 s1, $0xD;
	s1 =	sshrl.u32 s1, $0x2  }
0x40: {  	s4 =	sand.u32 $0x4000, s31;
	s1 =	sadd.s32 s1, s30  }
0x41: {  	s0 =	sor.u32 s4, s0;
	s1 =	sshll.u32 s1, $0x11  }
0x42: {  	s0 =	sor.u32 s1, s0  }
0x43: {  	s0 =	sadd.s32 $0x8F2B, s0  }
0x44: {  	[sflag:s0] =	ssyncadd.remote.s32 $0x1  }
0x45: {  	_ =	sfence.sel $0xFFFF  }
0x46: {  	[dreg:$0x0] =	wrdreg $0xFFFFFFFF;
	(pc) =	sbr.abs _section_cstart, $3  }
0x47: {  	[dreg:$0x1] =	wrdreg $0xFFFFFFFF  }
0x48: {  	_ =	task.clear_ibuf [dreg:s23], $0x2FFFF;
	_ =	strace $0x9FFFFFFF  }
0x49: {  	(tm) =	ssettm $0x7FFFFFFF  }
tec
execute0_lowered:
.L_overlay_start_1:
0x0: {  	(tag) =	ssettag $0x1  }
0x1: {  	s8 =	rddreg [dreg:$0x0]  }
0x2: {  	s6 =	rddreg [dreg:$0x1]  }
0x3: {  	s1 =	stileid.u32;
	s2 =	srdreg.scid  }
0x4: {  	s0 =	rddreg [dreg:$0x2];
	_ =	strace $0x8000004A;
	s30 =	simm.s32 $0x2  }
0x5: {  	s15 =	simm.s32 $0x0;
	s17 =	simm.s32 $0x0;
	s16 =	simm.s32 $0x0  }
0x6: {  	s14 =	simm.s32 $0x0;
	s23 =	simm.s32 $0x0;
	s3 =	sshll.u32 s1, $0x5  }
0x7: {  	s2 =	sshll.u32 s2, $0x9;
	s4 =	sshll.u32 s1, $0x1;
	s6 =	sadd.s32 $0x1F5600, s6  }
0x8: {  	s31 =	sshll.u32 s1, $0x8;
	s5 =	sor.u32 s3, s2;
	s3 =	sand.u32 $0x8, s4  }
0x9: {  	s2 =	sand.u32 $0x3, s1;
	s4 =	sand.u32 $0x300, s5;
	s9 =	ssub.s32 $0x10, s3  }
0xa: {  	s5 =	simm.s32 $0x1;
	s7 =	ssub.s32 $0x80, s2;
	s10 =	sshrl.u32 s9, $0x3  }
0xb: {  	s11 =	ssub.s32 $0x400, s4;
	s9 =	sshrl.u32 s9, $0x4;
	s10 =	sand.u32 $0x1, s10  }
0xc: {  	s7 =	sshrl.u32 s7, $0x2;
	s12 =	sand.u32 $0x300, s11;
	s9 =	sadd.s32 s9, s10  }
0xd: {  	p0 =	sne.s32 s12, $0x0;
	s10 =	simm.s32 $0x1;
	s7 =	smul.u32 s7, s9  }
.Ltmp0:
0xe: {  	s11 =	sshrl.u32 s11, $0xA;
	s10 =	simm.s32 @!p0 $0x0;
	(pc) =	sbr.rel .LBB1_1-.Ltmp0, $4  }
0xf: {  	s13 =	smov.u32 s2;
	[sflag:s5] =	ssyncpa.u1 $0x0;
	s29 =	sadd.s32 s10, s11  }
0x10: {  	s8 =	sadd.s32 s4, s8;
	s9 =	sand.u32 $0x400, s31;
	s7 =	smul.u32 s29, s7  }
0x11: {  	[sflag:s30] =	ssyncpa.u1 $0x0;
	s12 =	simm.s32 $0x0;
	s8 =	sadd.s32 s8, s9  }
0x12: {  	s10 =	simm.s32 $0x800;
	s11 =	simm.s32 $0x2000;
	s9 =	sadd.s32 $0x1, s7  }
.LBB1_7:
0x13: {  	s18 =	sadd.s32 $0x4, s13  }
0x14: {  	p1 =	sgt.s32 s18, $0x7C  }
0x15: {  	s18 =	smov.u32 @p1 s2;
	p1 =	sne.s32 s14, s9  }
.Ltmp1:
0x16: {  	p0 =	slt.u32 s14, $0x2;
	(pc) =	sbr.rel @!p1 .LBB1_8-.Ltmp1, $4  }
0x17: {  	s19 =	sadd.s32 $0x1, s14;
	s15 =	simm.s32 @!p0 $0x2  }
0x18: {  	s16 =	smov.u32 s13;
	s12 =	sadd.s32 $0x4000, s12;
	_ =	swait.ge @!p0 [sflag:s15], $0x4000  }
0x19: {  	s17 =	smov.u32 s3;
	s14 =	smov.u32 s19;
	[sflag:s15] =	ssyncset.done @!p0 $0x0  }
0x1a: {  	s13 =	smov.u32 s18;
	[sflag:s15] =	ssyncadd.s32 @!p0 $0xFFFFC000;
	s15 =	smov.u32 s4  }
.LBB1_1:
0x1b: {  	p0 =	sge.u32 s14, s7  }
0x1c: {  	s31 =	sadd.s32 $0xFFFFFFFF, s14;
	s18 =	sxor.u32 @!p0 $0xFFFFFFFF, s14  }
0x1d: {  	s19 =	sshll.u32 @!p0 s13, $0xE;
	s20 =	simm.s32 @!p0 $0x800;
	s18 =	sshll.u32 @!p0 s18, $0xE  }
0x1e: {  	s21 =	simm.s32 @!p0 $0x4000;
	s19 =	sadd.s32 @!p0 s19, s8;
	s18 =	sand.u32 @!p0 $0x4000, s18  }
0x1f: {  	[tilespmem:s18], [sflag:$0x1] =	stream.strided.gather @!p0 [hbm4b:s19+s20], $0x4000, s21, s20, $0x38;
	[tilespmem:$0x10000] =	vst v63  }
0x20: {  	p0 =	sge.u32 s31, s7  }
.Ltmp2:
0x21: {  	_ = 	snop;
	(pc) =	sbr.rel @p0 .LBB1_7-.Ltmp2, $1  }
0x22: {  	_ =	sdelay $0x3  }
0x23: {  	s18 =	sshll.u32 s12, $0x2;
	_ =	swait.ge [sflag:s5], $0x4000;
	s31 =	sshll.u32 s14, $0xE  }
0x24: {  	p0 =	por $0x0, $0x0;
	s24 =	simm.s32 $0x0;
	s25 =	simm.s32 $0x0  }
0x25: {  	s18 =	sand.u32 $0x10000, s18;
	[sflag:s5] =	ssyncset.done $0x0;
	s21 =	sand.u32 $0x4000, s31  }
0x26: {  	s22 =	sshrl.u32 s18, $0x2;
	[sflag:s5] =	ssyncadd.s32 $0xFFFFC000;
	s18 =	sor.u32 $0x8000, s21  }
0x27: {  	s19 =	sor.u32 $0x40, s22;
	s20 =	sor.u32 $0x8410, s22;
	s22 =	sadd.s32 $0x8400, s22  }
.LBB1_3:
0x28: {  	v1 =	vld [tilespmem:s19+$0xFFFFFFD0]  }
0x29: {  	v2 =	vld [tilespmem:s19+$0x430]  }
0x2a: {  	s26 =	sshll.u32 s25, $0xB;
	v4 =	vld [tilespmem:s19+$0xFFFFFFE0]  }
0x2b: {  	v7 =	vld [tilespmem:s19+$0xFFFFFFF0];
	v0 =	vmov s26  }
0x2c: {  	v8 =	vld [tilespmem:s19+$0x0]  }
0x2d: {  	v9 =	vld [tilespmem:s19+$0x10];
	s26 =	sand.u32 $0x300, s23  }
0x2e: {  	s27 =	sand.u32 $0x80, s23;
	v10 =	vld [tilespmem:s19+$0x20];
	s26 =	sadd.s32 s26, s21  }
0x2f: {  	v11 =	vld [tilespmem:s19+$0x30];
	s26 =	sadd.s32 s27, s26;
	s27 =	simm.s32 $0x1;
	[tilespmem:s20+$0x60] =	vst v2  }
0x30: {  	s27 =	simm.s32 @!p0 $0x0;
	[tilespmem:s20+$0xFFFFFC00] =	vst v1;
	v3 =	vld.idx.msk [tilespmem:v0+s26+$0x400 ss:$0x1], $0xffff;
	s26 =	sshll.u32 s24, $0x2  }
0x31: {  	v6 =	vld [tilespmem:s19+$0x3D0];
	s27 =	sshll.u32 s27, $0x9;
	[tilespmem:s20+$0xFFFFFC10] =	vst v4;
	s26 =	sand.u32 $0xFFFFFC00, s26  }
0x32: {  	v5 =	vld [tilespmem:s19+$0x3E0];
	[tilespmem:s20+$0xFFFFFC20] =	vst v7;
	s26 =	sor.u32 s27, s26  }
0x33: {  	[tilespmem:s20+$0xFFFFFC30] =	vst v8;
	v4 =	vld [tilespmem:s19+$0x400];
	s26 =	sshrl.u32 s26, $0x2  }
0x34: {  	[tilespmem:s20+$0xFFFFFC40] =	vst v9;
	v1 =	vld [tilespmem:s19+$0x410];
	s26 =	sadd.s32 s26, s22  }
0x35: {  	[tilespmem:s26+$0x0] =	vst v3;
	v3 =	vld [tilespmem:s19+$0x3F0]  }
0x36: {  	s30 =	simm.s32 $0x80;
	s29 =	simm.s32 $0x100;
	[tilespmem:s20+$0xFFFFFC50] =	vst v10;
	v2 =	vld [tilespmem:s19+$0x420]  }
0x37: {  	s28 =	smov.u32 s20;
	s31 =	sand.u32 $0x300, s30;
	v7 =	vld [tilespmem:s19+$0xFFFFFFC0];
	[tilespmem:s20+$0xFFFFFC60] =	vst v11;
	s27 =	sadd.s32 $0x80, s19  }
.LBB1_4:
0x38: {  	p1 =	sne.s32 s29, $0x380;
	v8 =	vld [tilespmem:s27+$0xFFFFFFD0];
	s30 =	sand.u32 $0x80, s30;
	s31 =	sadd.s32 s31, s21;
	[tilespmem:s28+$0x0] =	vst v6  }
0x39: {  	s31 =	sadd.s32 s30, s31;
	v6 =	vld [tilespmem:s27+$0x430];
	[tilespmem:s28+$0x10] =	vst v5;
	s30 =	smov.u32 s29  }
0x3a: {  	v5 =	vld.idx.msk [tilespmem:v0+s31+$0x400 ss:$0x1], $0xffff;
	[tilespmem:s28+$0x20] =	vst v3  }
0x3b: {  	v3 =	vld [tilespmem:s27+$0xFFFFFFE0];
	[tilespmem:s28+$0x30] =	vst v4  }
0x3c: {  	v4 =	vld [tilespmem:s27+$0xFFFFFFF0];
	[tilespmem:s28+$0xFFFFFBF0] =	vst v7  }
0x3d: {  	v7 =	vld [tilespmem:s27+$0x0];
	[tilespmem:s28+$0x40] =	vst v1  }
0x3e: {  	v1 =	vld [tilespmem:s27+$0x10];
	[tilespmem:s28+$0x50] =	vst v2;
	s28 =	sadd.s32 $0x800, s28  }
0x3f: {  	s26 =	sadd.s32 $0x800, s26;
	v2 =	vld [tilespmem:s27+$0x20];
	[tilespmem:s28+$0x60] =	vst v6  }
0x40: {  	v9 =	vld [tilespmem:s27+$0x30];
	[tilespmem:s26+$0x0] =	vst v5  }
0x41: {  	[tilespmem:s28+$0xFFFFFC00] =	vst v8;
	v6 =	vld [tilespmem:s27+$0x3D0]  }
0x42: {  	[tilespmem:s28+$0xFFFFFC10] =	vst v3;
	v5 =	vld [tilespmem:s27+$0x3E0]  }
.Ltmp3:
0x43: {  	[tilespmem:s28+$0xFFFFFC20] =	vst v4;
	v3 =	vld [tilespmem:s27+$0x3F0];
	(pc) =	sbr.rel @p1 .LBB1_4-.Ltmp3, $4  }
0x44: {  	[tilespmem:s28+$0xFFFFFC30] =	vst v7;
	v4 =	vld [tilespmem:s27+$0x400]  }
0x45: {  	[tilespmem:s28+$0xFFFFFC40] =	vst v1;
	v1 =	vld [tilespmem:s27+$0x410]  }
0x46: {  	[tilespmem:s28+$0xFFFFFC50] =	vst v2;
	v2 =	vld [tilespmem:s27+$0x420]  }
0x47: {  	s29 =	sadd.s32 $0x80, s29;
	s31 =	sand.u32 $0x300, s30;
	v7 =	vld [tilespmem:s27+$0xFFFFFFC0];
	[tilespmem:s28+$0xFFFFFC60] =	vst v9;
	s27 =	sadd.s32 $0x80, s27  }
0x48: {  	[tilespmem:s28+$0x0] =	vst v6  }
0x49: {  	[tilespmem:s28+$0x10] =	vst v5  }
0x4a: {  	v49 =	vld [tilespmem:s27+$0x430];
	[tilespmem:s28+$0x20] =	vst v3  }
0x4b: {  	v50 =	vld [tilespmem:s27+$0xFFFFFFD0];
	[tilespmem:s28+$0x30] =	vst v4  }
0x4c: {  	v51 =	vld [tilespmem:s27+$0xFFFFFFE0];
	[tilespmem:s28+$0x40] =	vst v1  }
0x4d: {  	s29 =	sand.u32 $0x80, s30;
	s31 =	sadd.s32 s31, s21;
	v52 =	vld [tilespmem:s27+$0xFFFFFFF0];
	[tilespmem:s28+$0x50] =	vst v2  }
0x4e: {  	v53 =	vld [tilespmem:s27+$0x0];
	s29 =	sadd.s32 s29, s31;
	s31 =	sadd.s32 $0x800, s28;
	[tilespmem:s28+$0xFFFFFBF0] =	vst v7  }
0x4f: {  	v54 =	vld [tilespmem:s27+$0x10];
	[tilespmem:s31+$0x60] =	vst v49  }
0x50: {  	v55 =	vld [tilespmem:s27+$0x20];
	[tilespmem:s31+$0xFFFFFC00] =	vst v50  }
0x51: {  	v56 =	vld [tilespmem:s27+$0x30];
	[tilespmem:s31+$0xFFFFFC10] =	vst v51  }
0x52: {  	v57 =	vld [tilespmem:s27+$0x3D0];
	[tilespmem:s31+$0xFFFFFC20] =	vst v52  }
0x53: {  	v58 =	vld [tilespmem:s27+$0x3E0];
	[tilespmem:s31+$0xFFFFFC30] =	vst v53  }
0x54: {  	v59 =	vld [tilespmem:s27+$0x3F0];
	[tilespmem:s31+$0xFFFFFC40] =	vst v54  }
0x55: {  	v60 =	vld [tilespmem:s27+$0x400];
	[tilespmem:s31+$0xFFFFFC50] =	vst v55  }
0x56: {  	v61 =	vld [tilespmem:s27+$0xFFFFFFC0];
	[tilespmem:s31+$0xFFFFFC60] =	vst v56  }
0x57: {  	v62 =	vld [tilespmem:s27+$0x410];
	[tilespmem:s31+$0x0] =	vst v57  }
0x58: {  	v63 =	vld [tilespmem:s27+$0x420];
	s25 =	sadd.s32 $0x1, s25;
	[tilespmem:s31+$0x10] =	vst v58  }
0x59: {  	p1 =	sne.s32 s25, $0x8;
	v0 =	vld.idx.msk [tilespmem:v0+s29+$0x400 ss:$0x1], $0xffff;
	[tilespmem:s31+$0x20] =	vst v59  }
.Ltmp4:
0x5a: {  	[tilespmem:s31+$0x30] =	vst v60;
	(pc) =	sbr.rel @p1 .LBB1_3-.Ltmp4, $4  }
0x5b: {  	[tilespmem:s31+$0xFFFFFBF0] =	vst v61  }
0x5c: {  	[tilespmem:s31+$0x40] =	vst v62  }
0x5d: {  	s26 =	sadd.s32 $0x800, s26;
	s19 =	sadd.s32 $0x800, s19;
	[tilespmem:s31+$0x50] =	vst v63  }
0x5e: {  	s24 =	sadd.s32 $0x80, s24;
	p0 =	por !p0, !p0;
	s20 =	sadd.s32 $0x80, s20;
	[tilespmem:s26+$0x0] =	vst v0  }
.Ltmp5:
0x5f: {  	s16 =	sshll.u32 s16, $0xE;
	(pc) =	sbr.rel .LBB1_7-.Ltmp5, $4  }
0x60: {  	s17 =	sshll.u32 s17, $0xA;
	s16 =	sadd.s32 s6, s16  }
0x61: {  	s16 =	sadd.s32 s17, s16  }
0x62: {  	s15 =	sadd.s32 s15, s16  }
0x63: {  	[hbm4b:s15+s10] =	stream.strided.scatter [tilespmem:s18], [sflag:$0x2], $0x4000, s11, s10, $0x38;
	[tilespmem:$0x10000] =	vst v63  }
.LBB1_8:
0x64: {  	_ =	sfence.sel $0x180000  }
0x65: {  	s2 =	simm.s32 $0x1;
	[bflag:$0x0] =	sbarrier.arrive $0xFFFF  }
0x66: {  	s31 =	simm.s32 $0x2;
	[sflag:s2] =	ssyncpa.u1 $0x1  }
0x67: {  	[sflag:s31] =	ssyncpa.u1 $0x1  }
0x68: {  	p0 =	sne.s32 s1, $0x0;
	_ =	strace $0x9000004A  }
0x69: {  	s0 =	sadd.s32 @!p0 $0x100000, s0;
	[bflag:$0x2] =	sbarrier.arrive $0xFFFF  }
0x6a: {  	[sflag:s0] =	ssyncadd.tile.s32 @!p0 $0x1;
	_ =	shalt  }
.Lfunc_end1:
_tile_overlayer_lowered:
.L_overlay_start_2:
0x6b: {  	(tag) =	ssettag $0x2  }
0x6c: {  	s0 =	rddreg [dreg:$0x0];
	s2 =	stileid.u32  }
0x6d: {  	s1 =	rddreg [dreg:$0x1];
	p0 =	sne.s32 s2, $0x0  }
0x6e: {  	s3 =	rddreg [dreg:$0x2];
	[bflag:$0x3] =	sbarrier.arrive $0xFFFF;
	s2 =	simm.s32 @!p0 $0x1C01  }
0x6f: {  	[timem:s3], [sflag:s2] =	dma.local @!p0 [hbm:s0], s1  }
0x70: {  	s0 =	simm.s32 @!p0 $0x1  }
0x71: {  	_ =	swait.ge @!p0 [sflag:s0], s1  }
0x72: {  	s1 =	ssub.s32 @!p0 $0x0, s1;
	[sflag:s0] =	ssyncset.done @!p0 $0x0  }
0x73: {  	[sflag:s0] =	ssyncadd.s32 @!p0 s1  }
0x74: {  	[bflag:$0x3] =	sbarrier.arrive $0xFFFF  }
0x75: {  	_ =	shalt  }

</sc_bundles>
